<compile_context>
chip_gen: v7x
topology: tpu7x:2x2x1
jax: 0.10.2.dev20260603
libtpu: 0.0.44.dev20260713+nightly
codegen_flags: <defaults>
</compile_context>

<pallas_src>
import functools

import jax
import jax.numpy as jnp
from jax import lax
from jax.experimental import pallas as pl
from jax.experimental.pallas import tpu as pltpu
from jax.experimental.pallas import tpu_sc as plsc

B = 16
T = 2048
H = 1024
M = 64
K = 5
VOCAB = 64
KP = 8
NC = 32
IW = 128
TS = 16
TL = T // TS
ZROWS = 32


def _gate_topk_body(x_ref, wgc_ref, bg_ref, probs_ref, idx_ref, g_ref):
    b = pl.program_id(0)
    x = x_ref[0].reshape(T, H).astype(jnp.bfloat16)
    s2 = jnp.dot(x, wgc_ref[...],
                 preferred_element_type=jnp.float32)
    s = s2.reshape(TS, TL) + bg_ref[0, 0]
    p = 1.0 / (1.0 + jnp.exp(-s))
    probs_ref[0] = p

    fi = (lax.broadcasted_iota(jnp.int32, (TS, TL), 0) * TL
          + lax.broadcasted_iota(jnp.int32, (TS, TL), 1))
    pw = s
    chosen = []
    for _ in range(K):
        mx = jnp.max(pw)
        cand = jnp.where(pw == mx, fi, T)
        am = jnp.min(cand)
        chosen.append(am)
        pw = jnp.where(fi == am, -3e38, pw)

    base = b * T
    li = lax.broadcasted_iota(jnp.int32, (1, IW), 1)
    v = jnp.full((1, IW), base, jnp.int32)
    for j in range(K):
        v = jnp.where(li == j, base + chosen[j], v)
    idx_ref[0] = v

    rows = [x_ref[0, c // TL, pl.ds(lax.rem(c, TL), 1), :] for c in chosen]
    g_ref[0] = jnp.concatenate(
        rows + [jnp.zeros((KP - K, H), jnp.float32)], axis=0)


def _gate_topk(enc4, Wg, bg11):
    wg_col16 = Wg.astype(jnp.bfloat16)
    return pl.pallas_call(
        _gate_topk_body,
        grid=(B,),
        in_specs=[
            pl.BlockSpec((1, TS, TL, H), lambda i: (i, 0, 0, 0)),
            pl.BlockSpec((H, 1), lambda i: (0, 0)),
            pl.BlockSpec((1, 1), lambda i: (0, 0)),
        ],
        out_specs=(
            pl.BlockSpec((1, TS, TL), lambda i: (i, 0, 0)),
            pl.BlockSpec((1, 1, IW), lambda i: (i, 0, 0)),
            pl.BlockSpec((1, KP, H), lambda i: (i, 0, 0)),
        ),
        out_shape=(
            jax.ShapeDtypeStruct((B, TS, TL), jnp.float32),
            jax.ShapeDtypeStruct((B, 1, IW), jnp.int32),
            jax.ShapeDtypeStruct((B, KP, H), jnp.float32),
        ),
    )(enc4, wg_col16, bg11)


def _sc_gather_memory(enc_flat, idx_flat, zrows):
    mesh = plsc.VectorSubcoreMesh(core_axis_name="c", subcore_axis_name="s")

    @functools.partial(
        pl.kernel,
        out_type=jax.ShapeDtypeStruct((B * M, H), jnp.float32),
        mesh=mesh,
        compiler_params=pltpu.CompilerParams(needs_layout_passes=False),
        scratch_types=[
            pltpu.VMEM((KP,), jnp.int32),
            pltpu.VMEM((KP, H), jnp.float32),
            pltpu.VMEM((ZROWS, H), jnp.float32),
            pltpu.SemaphoreType.DMA,
        ],
    )
    def body(enc_hbm, idx_hbm, z_hbm, mem_hbm, idx_v, rows_v, z_v, sem):
        w = lax.axis_index("s") * 2 + lax.axis_index("c")
        bb = lax.rem(w, B)
        half = w // B

        @pl.when(half == 0)
        def _():
            pltpu.sync_copy(idx_hbm.at[pl.ds(bb * IW, KP)], idx_v)
            pltpu.async_copy(enc_hbm.at[idx_v], rows_v, sem).wait()

            def zrow(c, carry):
                zv16 = jnp.zeros((16,), jnp.float32)
                for r in range(K, KP):
                    rows_v[r, pl.ds(c * 16, 16)] = zv16
                return carry

            lax.fori_loop(0, H // 16, zrow, 0)
            pltpu.sync_copy(rows_v, mem_hbm.at[pl.ds(bb * M, KP)])
            pltpu.sync_copy(z_hbm, z_v)
            pltpu.sync_copy(z_v, mem_hbm.at[pl.ds(bb * M + KP, ZROWS)])

        @pl.when(half == 1)
        def _():
            nz = M - KP - ZROWS
            pltpu.sync_copy(z_hbm.at[pl.ds(0, nz)], z_v.at[pl.ds(0, nz)])
            pltpu.sync_copy(z_v.at[pl.ds(0, nz)],
                            mem_hbm.at[pl.ds(bb * M + KP + ZROWS, nz)])

    return body(enc_flat, idx_flat, zrows)


def _read_body(g_ref, query_ref, wq_ref, bq_ref, wk_ref, bk_ref, wo_ref,
               bo_ref, logits_ref):
    slot = lax.broadcasted_iota(jnp.int32, (B, KP, H), 1)
    g = jnp.where(slot < K, g_ref[...].reshape(B, KP, H), 0.0)
    query = query_ref[...]
    q = jnp.dot(query, wq_ref[...],
                preferred_element_type=jnp.float32) + bq_ref[...]
    km = jnp.dot(g.reshape(B * KP, H), wk_ref[...],
                 preferred_element_type=jnp.float32).reshape(B, KP, H)
    km = km + bk_ref[...][None]
    inv = 1.0 / (H ** 0.5)
    z = jnp.sum(q * bk_ref[...], axis=1, keepdims=True) * inv
    s = jnp.sum(q[:, None, :] * km, axis=2) * inv
    mx = jnp.max(s, axis=1, keepdims=True)
    e = jnp.exp(s - mx)
    den = jnp.sum(e, axis=1, keepdims=True) + (M - KP) * jnp.exp(z - mx)
    attn = e / den
    retrieved = jnp.sum(attn[:, :, None] * g, axis=1)
    logits_ref[...] = jnp.dot(retrieved + query, wo_ref[...],
                              preferred_element_type=jnp.float32) + bo_ref[...]


def _read_path(g2, query_hidden, Wq, bq_row, Wk, bk_row, Wo, bo_row):
    return pl.pallas_call(
        _read_body,
        out_shape=jax.ShapeDtypeStruct((B, VOCAB), jnp.float32),
    )(g2, query_hidden, Wq, bq_row, Wk, bk_row, Wo, bo_row)


def kernel(enc_hidden, query_hidden, Wg, bg, Wq, bq, Wk, bk, Wo, bo):
    enc4 = enc_hidden.reshape(B, TS, TL, H)
    probs3, idx3, g3 = _gate_topk(enc4, Wg, bg.reshape(1, 1))
    gate_probs = probs3.reshape(B, T)
    zrows = jnp.zeros((ZROWS, H), jnp.float32)
    mem_flat = _sc_gather_memory(
        enc_hidden.reshape(B * T, H), idx3.reshape(B * IW), zrows)
    logits = _read_path(
        g3.reshape(B * KP, H), query_hidden, Wq, bq.reshape(1, H),
        Wk, bk.reshape(1, H), Wo, bo.reshape(1, VOCAB))
    return (logits, gate_probs, mem_flat.reshape(B, M, H))

# --- scband reference (transcript-rebuilt; emitter-appended) ---
"""Pipeline reference for scband-learned-gate-memory-35270271435231 (READ-ONLY COPY).

The authoritative reference and input builder live on the scoring server;
editing this copy changes nothing except your own understanding.
"""

import jax, jax.numpy as jnp
import numpy as np

VOCAB_SIZE = 64
H = 1024
M = 64
K_WRITE = 5
B = 16
T = 2048


def setup_inputs(seed: int = 0) -> dict:
    key = jax.random.key(seed)
    ks = jax.random.split(key, 12)
    enc_hidden = jax.random.normal(ks[0], (B, T, H), dtype=jnp.float32)
    query_hidden = jax.random.normal(ks[1], (B, H), dtype=jnp.float32)
    s = 1.0 / np.sqrt(H)
    # Linear weights stored as [in, out] (math-equivalent to torch's [out, in] with transpose)
    Wg = jax.random.uniform(ks[2], (H, 1), jnp.float32, -s, s)
    bg = jax.random.uniform(ks[3], (1,), jnp.float32, -s, s)
    Wq = jax.random.uniform(ks[4], (H, H), jnp.float32, -s, s)
    bq = jax.random.uniform(ks[5], (H,), jnp.float32, -s, s)
    Wk = jax.random.uniform(ks[6], (H, H), jnp.float32, -s, s)
    bk = jax.random.uniform(ks[7], (H,), jnp.float32, -s, s)
    Wo = jax.random.uniform(ks[8], (H, VOCAB_SIZE), jnp.float32, -s, s)
    bo = jax.random.uniform(ks[9], (VOCAB_SIZE,), jnp.float32, -s, s)
    return {"enc_hidden": enc_hidden, "query_hidden": query_hidden,
            "Wg": Wg, "bg": bg, "Wq": Wq, "bq": bq,
            "Wk": Wk, "bk": bk, "Wo": Wo, "bo": bo}


def reference(enc_hidden, query_hidden, Wg, bg, Wq, bq, Wk, bk, Wo, bo):
    Bc, Tc, Hc = enc_hidden.shape
    gate_scores = (enc_hidden @ Wg + bg)[..., 0]          # [B, T]
    gate_probs = jax.nn.sigmoid(gate_scores)
    k = min(K_WRITE, M, Tc)
    _, top_idx = jax.lax.top_k(gate_probs, k)             # [B, k]
    # scatter-write selected token states into first k memory slots
    gathered = jnp.take_along_axis(enc_hidden, top_idx[:, :, None], axis=1)  # [B, k, H]
    memory = jnp.zeros((Bc, M, Hc), dtype=enc_hidden.dtype).at[:, :k, :].set(gathered)
    # read
    q = (query_hidden @ Wq + bq)[:, None, :]              # [B, 1, H]
    km = memory @ Wk + bk                                 # [B, M, H]
    scores = jnp.squeeze(q @ jnp.swapaxes(km, 1, 2), axis=1) / (Hc ** 0.5)  # [B, M]
    attn = jax.nn.softmax(scores, axis=-1)
    retrieved = jnp.squeeze(attn[:, None, :] @ memory, axis=1)  # [B, H]
    logits = (retrieved + query_hidden) @ Wo + bo         # [B, VOCAB]
    return (logits, gate_probs, memory)

if __name__ == "__main__":
    import jax
    _d = setup_inputs()
    print(jax.jit(kernel)(*tuple(_d.values())))

</pallas_src>

<mosaic_0001>
#map = affine_map<(d0, d1) -> (0, 0)>
#map1 = affine_map<(d0, d1) -> (0)>
module attributes {stable_mosaic.version = 14 : i64} {
  func.func @body(%arg0: i32, %arg1: i32, %arg2: memref<32768x1024xf32, #tpu.memory_space<hbm>>, %arg3: memref<2048xi32, #tpu.memory_space<hbm>>, %arg4: memref<32x1024xf32, #tpu.memory_space<hbm>>, %arg5: memref<1024x1024xf32, #tpu.memory_space<hbm>>, %arg6: memref<8xi32, #tpu.memory_space<vmem>>, %arg7: memref<8x1024xf32, #tpu.memory_space<vmem>>, %arg8: memref<32x1024xf32, #tpu.memory_space<vmem>>, %arg9: memref<!tpu.dma_semaphore, #tpu.memory_space<semaphore_mem>>) attributes {dimension_semantics = [#tpu.dimension_semantics<core_parallel>, #tpu.dimension_semantics<subcore_parallel>], iteration_bounds = array<i64: 2, 16>, scalar_prefetch = 0 : i64, scratch_operands = 4 : i64, tpu.core_type = #tpu.core_type<sc_vector_subcore>, window_params = [{transform_indices = #map}, {transform_indices = #map1}, {transform_indices = #map}, {transform_indices = #map}]} {
    %mul3A = arith.constant 2 : i32
    %mul3A_0 = arith.muli %arg1, %mul3A : i32
    %add3A = arith.addi %mul3A_0, %arg0 : i32
    %rem3A = arith.constant 16 : i32
    %rem3A_1 = arith.remsi %add3A, %rem3A : i32
    %jit3A = arith.constant 16 : i32
    %div3A = arith.divsi %add3A, %jit3A : i32
    %sign3A = arith.constant 0 : i32
    %sign3A_2 = arith.cmpi sgt, %add3A, %sign3A : i32
    %sign3A_3 = arith.extui %sign3A_2 : i1 to i32
    %sign3A_4 = arith.constant 0 : i32
    %sign3A_5 = arith.cmpi slt, %add3A, %sign3A_4 : i32
    %sign3A_6 = arith.extui %sign3A_5 : i1 to i32
    %sign3A_7 = arith.subi %sign3A_3, %sign3A_6 : i32
    %sign3A_8 = arith.constant 0 : i32
    %sign3A_9 = arith.cmpi sgt, %jit3A, %sign3A_8 : i32
    %sign3A_10 = arith.extui %sign3A_9 : i1 to i32
    %sign3A_11 = arith.constant 0 : i32
    %sign3A_12 = arith.cmpi slt, %jit3A, %sign3A_11 : i32
    %sign3A_13 = arith.extui %sign3A_12 : i1 to i32
    %sign3A_14 = arith.subi %sign3A_10, %sign3A_13 : i32
    %ne3A = arith.cmpi ne, %sign3A_7, %sign3A_14 : i32
    %rem3A_15 = arith.remsi %add3A, %jit3A : i32
    %ne3A_16 = arith.constant 0 : i32
    %ne3A_17 = arith.cmpi ne, %rem3A_15, %ne3A_16 : i32
    %and3A = arith.andi %ne3A, %ne3A_17 : i1
    %sub3A = arith.constant 1 : i32
    %sub3A_18 = arith.subi %div3A, %sub3A : i32
    %select_n3A = arith.select %and3A, %sub3A_18, %div3A : i32
    %eq3A = arith.constant 0 : i32
    %eq3A_19 = arith.cmpi eq, %select_n3A, %eq3A : i32
    %convert_element_type3A = arith.extui %eq3A_19 : i1 to i32
    %cond3A = arith.constant 0 : i32
    %cond3A_20 = arith.cmpi ne, %convert_element_type3A, %cond3A : i32
    scf.if %cond3A_20 {
      %mul3A_26 = arith.constant 128 : i32
      %mul3A_27 = arith.muli %rem3A_1, %mul3A_26 : i32
      "tpu.region"() ({
        %run_scoped3A = tpu.sem_alloc : memref<!tpu.dma_semaphore, #tpu.memory_space<semaphore_mem>>
        %dma_start3A_43 = tpu.memref_slice %arg3[%mul3A_27] : memref<2048xi32, #tpu.memory_space<hbm>> -> memref<8xi32, #tpu.memory_space<hbm>>
        %dma_start3A_44 = tpu.memref_slice %arg3[%mul3A_27] : memref<2048xi32, #tpu.memory_space<hbm>> -> memref<8xi32, #tpu.memory_space<hbm>>
        tpu.enqueue_dma source(%dma_start3A_44 : memref<8xi32, #tpu.memory_space<hbm>>) target(%arg6 : memref<8xi32, #tpu.memory_space<vmem>>) target_semaphore(%run_scoped3A : memref<!tpu.dma_semaphore, #tpu.memory_space<semaphore_mem>>)
        %dma_wait3A_45 = tpu.memref_slice %arg3[%mul3A_27] : memref<2048xi32, #tpu.memory_space<hbm>> -> memref<8xi32, #tpu.memory_space<hbm>>
        %dma_wait3A_46 = tpu.memref_slice %arg3[%mul3A_27] : memref<2048xi32, #tpu.memory_space<hbm>> -> memref<8xi32, #tpu.memory_space<hbm>>
        tpu.wait_dma2 semaphore(%run_scoped3A : memref<!tpu.dma_semaphore, #tpu.memory_space<semaphore_mem>>) src(%dma_wait3A_46 : memref<8xi32, #tpu.memory_space<hbm>>) dst(%arg6 : memref<8xi32, #tpu.memory_space<vmem>>)
        tpu.yield
      }) : () -> ()
      %dma_start3A = arith.constant 0 : i32
      %dma_start3A_28 = arith.constant 0 : i32
      %dma_start3A_29 = tpu.memref_slice %arg2[%dma_start3A, %dma_start3A_28] : memref<32768x1024xf32, #tpu.memory_space<hbm>> -> memref<32768x1024xf32, #tpu.memory_space<hbm>>
      tpu.enqueue_indirect_dma source(%dma_start3A_29 : memref<32768x1024xf32, #tpu.memory_space<hbm>>) target(%arg7 : memref<8x1024xf32, #tpu.memory_space<vmem>>) offsets(%arg6 : memref<8xi32, #tpu.memory_space<vmem>>) semaphore(%arg9 : memref<!tpu.dma_semaphore, #tpu.memory_space<semaphore_mem>>)
      %dma_wait3A = arith.constant 0 : i32
      %dma_wait3A_30 = arith.constant 0 : i32
      %dma_wait3A_31 = tpu.memref_slice %arg2[%dma_wait3A, %dma_wait3A_30] : memref<32768x1024xf32, #tpu.memory_space<hbm>> -> memref<32768x1024xf32, #tpu.memory_space<hbm>>
      tpu.wait_indirect_dma semaphore(%arg9 : memref<!tpu.dma_semaphore, #tpu.memory_space<semaphore_mem>>) src(%dma_wait3A_31 : memref<32768x1024xf32, #tpu.memory_space<hbm>>) dst(%arg7 : memref<8x1024xf32, #tpu.memory_space<vmem>>)
      %scan3A = arith.constant 0 : i32
      %scan3A_32 = arith.constant 0 : i32
      %scan3A_33 = arith.constant 64 : i32
      %scan3A_34 = arith.addi %scan3A_32, %scan3A_33 : i32
      %scan3A_35 = arith.constant 1 : i32
      scf.for %scan3A_43 = %scan3A_32 to %scan3A_34 step %scan3A_35  : i32 {
        %broadcast_in_dim3A = arith.constant 0.000000e+00 : f32
        %broadcast_in_dim3A_44 = vector.broadcast %broadcast_in_dim3A : f32 to vector<16xf32>
        %mul3A_45 = arith.constant 16 : i32
        %mul3A_46 = arith.muli %scan3A_43, %mul3A_45 : i32
        %swap3A = arith.constant 5 : i32
        %swap3A_47 = arith.index_cast %swap3A : i32 to index
        %swap3A_48 = arith.index_cast %mul3A_46 : i32 to index
        %swap3A_49 = tpu.vector_load %arg7[%swap3A_47, %swap3A_48] {strides = array<i32>} : memref<8x1024xf32, #tpu.memory_space<vmem>>, vector<16xf32>,
        tpu.vector_store %arg7[%swap3A_47, %swap3A_48], %broadcast_in_dim3A_44 {strides = array<i32>} : memref<8x1024xf32, #tpu.memory_space<vmem>>, vector<16xf32>,
        %mul3A_50 = arith.constant 16 : i32
        %mul3A_51 = arith.muli %scan3A_43, %mul3A_50 : i32
        %swap3A_52 = arith.constant 6 : i32
        %swap3A_53 = arith.index_cast %swap3A_52 : i32 to index
        %swap3A_54 = arith.index_cast %mul3A_51 : i32 to index
        %swap3A_55 = tpu.vector_load %arg7[%swap3A_53, %swap3A_54] {strides = array<i32>} : memref<8x1024xf32, #tpu.memory_space<vmem>>, vector<16xf32>,
        tpu.vector_store %arg7[%swap3A_53, %swap3A_54], %broadcast_in_dim3A_44 {strides = array<i32>} : memref<8x1024xf32, #tpu.memory_space<vmem>>, vector<16xf32>,
        %mul3A_56 = arith.constant 16 : i32
        %mul3A_57 = arith.muli %scan3A_43, %mul3A_56 : i32
        %swap3A_58 = arith.constant 7 : i32
        %swap3A_59 = arith.index_cast %swap3A_58 : i32 to index
        %swap3A_60 = arith.index_cast %mul3A_57 : i32 to index
        %swap3A_61 = tpu.vector_load %arg7[%swap3A_59, %swap3A_60] {strides = array<i32>} : memref<8x1024xf32, #tpu.memory_space<vmem>>, vector<16xf32>,
        tpu.vector_store %arg7[%swap3A_59, %swap3A_60], %broadcast_in_dim3A_44 {strides = array<i32>} : memref<8x1024xf32, #tpu.memory_space<vmem>>, vector<16xf32>,
      }
      %scan3A_36 = arith.constant 64 : i32
      %mul3A_37 = arith.constant 64 : i32
      %mul3A_38 = arith.muli %rem3A_1, %mul3A_37 : i32
      "tpu.region"() ({
        %run_scoped3A = tpu.sem_alloc : memref<!tpu.dma_semaphore, #tpu.memory_space<semaphore_mem>>
        %dma_start3A_43 = arith.constant 0 : i32
        %dma_start3A_44 = tpu.memref_slice %arg5[%mul3A_38, %dma_start3A_43] : memref<1024x1024xf32, #tpu.memory_space<hbm>> -> memref<8x1024xf32, #tpu.memory_space<hbm>>
        %dma_start3A_45 = arith.constant 0 : i32
        %dma_start3A_46 = tpu.memref_slice %arg5[%mul3A_38, %dma_start3A_45] : memref<1024x1024xf32, #tpu.memory_space<hbm>> -> memref<8x1024xf32, #tpu.memory_space<hbm>>
        tpu.enqueue_dma source(%arg7 : memref<8x1024xf32, #tpu.memory_space<vmem>>) target(%dma_start3A_46 : memref<8x1024xf32, #tpu.memory_space<hbm>>) target_semaphore(%run_scoped3A : memref<!tpu.dma_semaphore, #tpu.memory_space<semaphore_mem>>)
        %dma_wait3A_47 = arith.constant 0 : i32
        %dma_wait3A_48 = tpu.memref_slice %arg5[%mul3A_38, %dma_wait3A_47] : memref<1024x1024xf32, #tpu.memory_space<hbm>> -> memref<8x1024xf32, #tpu.memory_space<hbm>>
        %dma_wait3A_49 = arith.constant 0 : i32
        %dma_wait3A_50 = tpu.memref_slice %arg5[%mul3A_38, %dma_wait3A_49] : memref<1024x1024xf32, #tpu.memory_space<hbm>> -> memref<8x1024xf32, #tpu.memory_space<hbm>>
        tpu.wait_dma2 semaphore(%run_scoped3A : memref<!tpu.dma_semaphore, #tpu.memory_space<semaphore_mem>>) src(%arg7 : memref<8x1024xf32, #tpu.memory_space<vmem>>) dst(%dma_wait3A_50 : memref<8x1024xf32, #tpu.memory_space<hbm>>)
        tpu.yield
      }) : () -> ()
      "tpu.region"() ({
        %run_scoped3A = tpu.sem_alloc : memref<!tpu.dma_semaphore, #tpu.memory_space<semaphore_mem>>
        tpu.enqueue_dma source(%arg4 : memref<32x1024xf32, #tpu.memory_space<hbm>>) target(%arg8 : memref<32x1024xf32, #tpu.memory_space<vmem>>) target_semaphore(%run_scoped3A : memref<!tpu.dma_semaphore, #tpu.memory_space<semaphore_mem>>)
        tpu.wait_dma2 semaphore(%run_scoped3A : memref<!tpu.dma_semaphore, #tpu.memory_space<semaphore_mem>>) src(%arg4 : memref<32x1024xf32, #tpu.memory_space<hbm>>) dst(%arg8 : memref<32x1024xf32, #tpu.memory_space<vmem>>)
        tpu.yield
      }) : () -> ()
      %mul3A_39 = arith.constant 64 : i32
      %mul3A_40 = arith.muli %rem3A_1, %mul3A_39 : i32
      %add3A_41 = arith.constant 8 : i32
      %add3A_42 = arith.addi %mul3A_40, %add3A_41 : i32
      "tpu.region"() ({
        %run_scoped3A = tpu.sem_alloc : memref<!tpu.dma_semaphore, #tpu.memory_space<semaphore_mem>>
        %dma_start3A_43 = arith.constant 0 : i32
        %dma_start3A_44 = tpu.memref_slice %arg5[%add3A_42, %dma_start3A_43] : memref<1024x1024xf32, #tpu.memory_space<hbm>> -> memref<32x1024xf32, #tpu.memory_space<hbm>>
        %dma_start3A_45 = arith.constant 0 : i32
        %dma_start3A_46 = tpu.memref_slice %arg5[%add3A_42, %dma_start3A_45] : memref<1024x1024xf32, #tpu.memory_space<hbm>> -> memref<32x1024xf32, #tpu.memory_space<hbm>>
        tpu.enqueue_dma source(%arg8 : memref<32x1024xf32, #tpu.memory_space<vmem>>) target(%dma_start3A_46 : memref<32x1024xf32, #tpu.memory_space<hbm>>) target_semaphore(%run_scoped3A : memref<!tpu.dma_semaphore, #tpu.memory_space<semaphore_mem>>)
        %dma_wait3A_47 = arith.constant 0 : i32
        %dma_wait3A_48 = tpu.memref_slice %arg5[%add3A_42, %dma_wait3A_47] : memref<1024x1024xf32, #tpu.memory_space<hbm>> -> memref<32x1024xf32, #tpu.memory_space<hbm>>
        %dma_wait3A_49 = arith.constant 0 : i32
        %dma_wait3A_50 = tpu.memref_slice %arg5[%add3A_42, %dma_wait3A_49] : memref<1024x1024xf32, #tpu.memory_space<hbm>> -> memref<32x1024xf32, #tpu.memory_space<hbm>>
        tpu.wait_dma2 semaphore(%run_scoped3A : memref<!tpu.dma_semaphore, #tpu.memory_space<semaphore_mem>>) src(%arg8 : memref<32x1024xf32, #tpu.memory_space<vmem>>) dst(%dma_wait3A_50 : memref<32x1024xf32, #tpu.memory_space<hbm>>)
        tpu.yield
      }) : () -> ()
    } else {
    }
    %eq3A_21 = arith.constant 1 : i32
    %eq3A_22 = arith.cmpi eq, %select_n3A, %eq3A_21 : i32
    %convert_element_type3A_23 = arith.extui %eq3A_22 : i1 to i32
    %cond3A_24 = arith.constant 0 : i32
    %cond3A_25 = arith.cmpi ne, %convert_element_type3A_23, %cond3A_24 : i32
    scf.if %cond3A_25 {
      "tpu.region"() ({
        %run_scoped3A = tpu.sem_alloc : memref<!tpu.dma_semaphore, #tpu.memory_space<semaphore_mem>>
        %dma_start3A = arith.constant 0 : i32
        %dma_start3A_32 = arith.constant 0 : i32
        %dma_start3A_33 = tpu.memref_slice %arg8[%dma_start3A, %dma_start3A_32] : memref<32x1024xf32, #tpu.memory_space<vmem>> -> memref<24x1024xf32, #tpu.memory_space<vmem>>
        %dma_start3A_34 = arith.constant 0 : i32
        %dma_start3A_35 = arith.constant 0 : i32
        %dma_start3A_36 = tpu.memref_slice %arg4[%dma_start3A_34, %dma_start3A_35] : memref<32x1024xf32, #tpu.memory_space<hbm>> -> memref<24x1024xf32, #tpu.memory_space<hbm>>
        %dma_start3A_37 = arith.constant 0 : i32
        %dma_start3A_38 = arith.constant 0 : i32
        %dma_start3A_39 = tpu.memref_slice %arg8[%dma_start3A_37, %dma_start3A_38] : memref<32x1024xf32, #tpu.memory_space<vmem>> -> memref<24x1024xf32, #tpu.memory_space<vmem>>
        %dma_start3A_40 = arith.constant 0 : i32
        %dma_start3A_41 = arith.constant 0 : i32
        %dma_start3A_42 = tpu.memref_slice %arg4[%dma_start3A_40, %dma_start3A_41] : memref<32x1024xf32, #tpu.memory_space<hbm>> -> memref<24x1024xf32, #tpu.memory_space<hbm>>
        tpu.enqueue_dma source(%dma_start3A_42 : memref<24x1024xf32, #tpu.memory_space<hbm>>) target(%dma_start3A_39 : memref<24x1024xf32, #tpu.memory_space<vmem>>) target_semaphore(%run_scoped3A : memref<!tpu.dma_semaphore, #tpu.memory_space<semaphore_mem>>)
        %dma_wait3A = arith.constant 0 : i32
        %dma_wait3A_43 = arith.constant 0 : i32
        %dma_wait3A_44 = tpu.memref_slice %arg8[%dma_wait3A, %dma_wait3A_43] : memref<32x1024xf32, #tpu.memory_space<vmem>> -> memref<24x1024xf32, #tpu.memory_space<vmem>>
        %dma_wait3A_45 = arith.constant 0 : i32
        %dma_wait3A_46 = arith.constant 0 : i32
        %dma_wait3A_47 = tpu.memref_slice %arg4[%dma_wait3A_45, %dma_wait3A_46] : memref<32x1024xf32, #tpu.memory_space<hbm>> -> memref<24x1024xf32, #tpu.memory_space<hbm>>
        %dma_wait3A_48 = arith.constant 0 : i32
        %dma_wait3A_49 = arith.constant 0 : i32
        %dma_wait3A_50 = tpu.memref_slice %arg8[%dma_wait3A_48, %dma_wait3A_49] : memref<32x1024xf32, #tpu.memory_space<vmem>> -> memref<24x1024xf32, #tpu.memory_space<vmem>>
        %dma_wait3A_51 = arith.constant 0 : i32
        %dma_wait3A_52 = arith.constant 0 : i32
        %dma_wait3A_53 = tpu.memref_slice %arg4[%dma_wait3A_51, %dma_wait3A_52] : memref<32x1024xf32, #tpu.memory_space<hbm>> -> memref<24x1024xf32, #tpu.memory_space<hbm>>
        tpu.wait_dma2 semaphore(%run_scoped3A : memref<!tpu.dma_semaphore, #tpu.memory_space<semaphore_mem>>) src(%dma_wait3A_53 : memref<24x1024xf32, #tpu.memory_space<hbm>>) dst(%dma_wait3A_50 : memref<24x1024xf32, #tpu.memory_space<vmem>>)
        tpu.yield
      }) : () -> ()
      %mul3A_26 = arith.constant 64 : i32
      %mul3A_27 = arith.muli %rem3A_1, %mul3A_26 : i32
      %add3A_28 = arith.constant 8 : i32
      %add3A_29 = arith.addi %mul3A_27, %add3A_28 : i32
      %add3A_30 = arith.constant 32 : i32
      %add3A_31 = arith.addi %add3A_29, %add3A_30 : i32
      "tpu.region"() ({
        %run_scoped3A = tpu.sem_alloc : memref<!tpu.dma_semaphore, #tpu.memory_space<semaphore_mem>>
        %dma_start3A = arith.constant 0 : i32
        %dma_start3A_32 = arith.constant 0 : i32
        %dma_start3A_33 = tpu.memref_slice %arg8[%dma_start3A, %dma_start3A_32] : memref<32x1024xf32, #tpu.memory_space<vmem>> -> memref<24x1024xf32, #tpu.memory_space<vmem>>
        %dma_start3A_34 = arith.constant 0 : i32
        %dma_start3A_35 = tpu.memref_slice %arg5[%add3A_31, %dma_start3A_34] : memref<1024x1024xf32, #tpu.memory_space<hbm>> -> memref<24x1024xf32, #tpu.memory_space<hbm>>
        %dma_start3A_36 = arith.constant 0 : i32
        %dma_start3A_37 = tpu.memref_slice %arg5[%add3A_31, %dma_start3A_36] : memref<1024x1024xf32, #tpu.memory_space<hbm>> -> memref<24x1024xf32, #tpu.memory_space<hbm>>
        %dma_start3A_38 = arith.constant 0 : i32
        %dma_start3A_39 = arith.constant 0 : i32
        %dma_start3A_40 = tpu.memref_slice %arg8[%dma_start3A_38, %dma_start3A_39] : memref<32x1024xf32, #tpu.memory_space<vmem>> -> memref<24x1024xf32, #tpu.memory_space<vmem>>
        tpu.enqueue_dma source(%dma_start3A_40 : memref<24x1024xf32, #tpu.memory_space<vmem>>) target(%dma_start3A_37 : memref<24x1024xf32, #tpu.memory_space<hbm>>) target_semaphore(%run_scoped3A : memref<!tpu.dma_semaphore, #tpu.memory_space<semaphore_mem>>)
        %dma_wait3A = arith.constant 0 : i32
        %dma_wait3A_41 = arith.constant 0 : i32
        %dma_wait3A_42 = tpu.memref_slice %arg8[%dma_wait3A, %dma_wait3A_41] : memref<32x1024xf32, #tpu.memory_space<vmem>> -> memref<24x1024xf32, #tpu.memory_space<vmem>>
        %dma_wait3A_43 = arith.constant 0 : i32
        %dma_wait3A_44 = tpu.memref_slice %arg5[%add3A_31, %dma_wait3A_43] : memref<1024x1024xf32, #tpu.memory_space<hbm>> -> memref<24x1024xf32, #tpu.memory_space<hbm>>
        %dma_wait3A_45 = arith.constant 0 : i32
        %dma_wait3A_46 = tpu.memref_slice %arg5[%add3A_31, %dma_wait3A_45] : memref<1024x1024xf32, #tpu.memory_space<hbm>> -> memref<24x1024xf32, #tpu.memory_space<hbm>>
        %dma_wait3A_47 = arith.constant 0 : i32
        %dma_wait3A_48 = arith.constant 0 : i32
        %dma_wait3A_49 = tpu.memref_slice %arg8[%dma_wait3A_47, %dma_wait3A_48] : memref<32x1024xf32, #tpu.memory_space<vmem>> -> memref<24x1024xf32, #tpu.memory_space<vmem>>
        tpu.wait_dma2 semaphore(%run_scoped3A : memref<!tpu.dma_semaphore, #tpu.memory_space<semaphore_mem>>) src(%dma_wait3A_49 : memref<24x1024xf32, #tpu.memory_space<vmem>>) dst(%dma_wait3A_46 : memref<24x1024xf32, #tpu.memory_space<hbm>>)
        tpu.yield
      }) : () -> ()
    } else {
    }
    return
  }
}

module attributes {stable_mosaic.version = 14 : i64} {
  func.func @_gate_topk_body(%arg0: i32, %arg1: memref<1x16x128x1024xf32, #tpu.memory_space<vmem>>, %arg2: memref<1024x1xbf16, #tpu.memory_space<vmem>>, %arg3: memref<1x1xf32, #tpu.memory_space<vmem>>, %arg4: memref<1x16x128xf32, #tpu.memory_space<vmem>>, %arg5: memref<1x1x128xi32, #tpu.memory_space<vmem>>, %arg6: memref<1x8x1024xf32, #tpu.memory_space<vmem>>) attributes {dimension_semantics = [#tpu.dimension_semantics<arbitrary>], iteration_bounds = array<i64: 16>, scalar_prefetch = 0 : i64, scratch_operands = 0 : i64, tpu.core_type = #tpu.core_type<tc>, window_params = [{transform_indices = @transform_0, window_bounds = array<i64: 1, 16, 128, 1024>}, {pipeline_mode = #tpu.pipeline_mode<synchronous>, transform_indices = @transform_1, window_bounds = array<i64: 1024, 1>}, {pipeline_mode = #tpu.pipeline_mode<synchronous>, transform_indices = @transform_2, window_bounds = array<i64: 1, 1>}, {transform_indices = @transform_3, window_bounds = array<i64: 1, 16, 128>}, {transform_indices = @transform_4, window_bounds = array<i64: 1, 1, 128>}, {transform_indices = @transform_5, window_bounds = array<i64: 1, 8, 1024>}]} {
    %get3A = arith.constant 0 : index
    %get3A_0 = arith.constant 0 : index
    %get3A_1 = arith.constant 0 : index
    %get3A_2 = arith.constant 0 : index
    %get3A_3 = vector.load %arg1[%get3A, %get3A_0, %get3A_1, %get3A_2] : memref<1x16x128x1024xf32, #tpu.memory_space<vmem>>, vector<1x16x128x1024xf32>
    %get3A_4 = vector.shape_cast %get3A_3 : vector<1x16x128x1024xf32> to vector<16x128x1024xf32>
    %reshape3A = vector.shape_cast %get3A_4 : vector<16x128x1024xf32> to vector<2048x1024xf32>
    %convert_element_type3A = arith.truncf %reshape3A : vector<2048x1024xf32> to vector<2048x1024xbf16>
    %get3A_5 = arith.constant 0 : index
    %get3A_6 = arith.constant 0 : index
    %get3A_7 = vector.load %arg2[%get3A_5, %get3A_6] : memref<1024x1xbf16, #tpu.memory_space<vmem>>, vector<1024x1xbf16>
    %dot_general3A = arith.constant dense<0.000000e+00> : vector<2048x1xf32>
    %dot_general3A_8 = tpu.matmul %convert_element_type3A, %get3A_7, %dot_general3A {dimension_numbers = #tpu.dot_dimension_numbers<[1], [0], [0], [1], [0, 0, 1, 1], [], []>, transpose_lhs_hint = false} : vector<2048x1024xbf16>, vector<1024x1xbf16>, vector<2048x1xf32> -> vector<2048x1xf32>
    %reshape3A_9 = vector.shape_cast %dot_general3A_8 : vector<2048x1xf32> to vector<16x128xf32>
    %get3A_10 = arith.constant 0 : index
    %get3A_11 = arith.constant 0 : index
    %get3A_12 = vector.load %arg3[%get3A_10, %get3A_11] : memref<1x1xf32, #tpu.memory_space<vmem>>, vector<1x1xf32>
    %get3A_13 = vector.extract %get3A_12[0, 0] : f32 from vector<1x1xf32>
    %add3A = vector.broadcast %get3A_13 : f32 to vector<16x128xf32>
    %add3A_14 = arith.addf %reshape3A_9, %add3A : vector<16x128xf32>
    %neg3A = arith.constant 0.000000e+00 : f32
    %neg3A_15 = vector.broadcast %neg3A : f32 to vector<16x128xf32>
    %neg3A_16 = arith.subf %neg3A_15, %add3A_14 : vector<16x128xf32>
    %exp3A = math.exp %neg3A_16 : vector<16x128xf32>
    %add3A_17 = arith.constant 1.000000e+00 : f32
    %add3A_18 = vector.broadcast %add3A_17 : f32 to vector<16x128xf32>
    %add3A_19 = arith.addf %add3A_18, %exp3A : vector<16x128xf32>
    %div3A = arith.constant 1.000000e+00 : f32
    %div3A_20 = vector.broadcast %div3A : f32 to vector<16x128xf32>
    %div3A_21 = arith.divf %div3A_20, %add3A_19 : vector<16x128xf32>
    %swap3A = arith.constant 0 : index
    %swap3A_22 = arith.constant 0 : index
    %swap3A_23 = arith.constant 0 : index
    %swap3A_24 = vector.load %arg4[%swap3A, %swap3A_22, %swap3A_23] : memref<1x16x128xf32, #tpu.memory_space<vmem>>, vector<1x16x128xf32>
    %swap3A_25 = vector.shape_cast %swap3A_24 : vector<1x16x128xf32> to vector<16x128xf32>
    %swap3A_26 = vector.shape_cast %div3A_21 : vector<16x128xf32> to vector<1x16x128xf32>
    tpu.vector_store %arg4[%swap3A, %swap3A_22, %swap3A_23], %swap3A_26 {strides = array<i32>} : memref<1x16x128xf32, #tpu.memory_space<vmem>>, vector<1x16x128xf32>,
    %iota3A = tpu.iota {dimensions = array<i32: 0>} : vector<16x128xi32>
    %mul3A = arith.constant 128 : i32
    %mul3A_27 = vector.broadcast %mul3A : i32 to vector<16x128xi32>
    %mul3A_28 = arith.muli %iota3A, %mul3A_27 : vector<16x128xi32>
    %iota3A_29 = tpu.iota {dimensions = array<i32: 1>} : vector<16x128xi32>
    %add3A_30 = arith.addi %mul3A_28, %iota3A_29 : vector<16x128xi32>
    %reduce_max3A = vector.shape_cast %add3A_14 : vector<16x128xf32> to vector<1x16x128xf32>
    %reduce_max3A_31 = arith.constant dense<0xFF800000> : vector<1xf32>
    %reduce_max3A_32 = vector.multi_reduction <maximumf>, %reduce_max3A, %reduce_max3A_31 [1, 2] : vector<1x16x128xf32> to vector<1xf32>
    %reduce_max3A_33 = vector.shape_cast %reduce_max3A_32 : vector<1xf32> to vector<1x1x1xf32>
    %reduce_max3A_34 = vector.extract %reduce_max3A_33[0, 0, 0] : f32 from vector<1x1x1xf32>
    %eq3A = vector.broadcast %reduce_max3A_34 : f32 to vector<16x128xf32>
    %eq3A_35 = arith.cmpf oeq, %add3A_14, %eq3A : vector<16x128xf32>
    %jit3A = arith.constant 2048 : i32
    %broadcast_in_dim3A = vector.broadcast %jit3A : i32 to vector<16x128xi32>
    %select_n3A = arith.select %eq3A_35, %add3A_30, %broadcast_in_dim3A : vector<16x128xi1>, vector<16x128xi32>
    %reduce_min3A = vector.shape_cast %select_n3A : vector<16x128xi32> to vector<1x16x128xi32>
    %reduce_min3A_36 = arith.constant dense<2147483647> : vector<1xi32>
    %reduce_min3A_37 = vector.multi_reduction <minsi>, %reduce_min3A, %reduce_min3A_36 [1, 2] : vector<1x16x128xi32> to vector<1xi32>
    %reduce_min3A_38 = vector.shape_cast %reduce_min3A_37 : vector<1xi32> to vector<1x1x1xi32>
    %reduce_min3A_39 = vector.extract %reduce_min3A_38[0, 0, 0] : i32 from vector<1x1x1xi32>
    %eq3A_40 = vector.broadcast %reduce_min3A_39 : i32 to vector<16x128xi32>
    %eq3A_41 = arith.cmpi eq, %add3A_30, %eq3A_40 : vector<16x128xi32>
    %jit3A_42 = arith.constant -3.000000e+38 : f32
    %broadcast_in_dim3A_43 = vector.broadcast %jit3A_42 : f32 to vector<16x128xf32>
    %select_n3A_44 = arith.select %eq3A_41, %broadcast_in_dim3A_43, %add3A_14 : vector<16x128xi1>, vector<16x128xf32>
    %reduce_max3A_45 = vector.shape_cast %select_n3A_44 : vector<16x128xf32> to vector<1x16x128xf32>
    %reduce_max3A_46 = arith.constant dense<0xFF800000> : vector<1xf32>
    %reduce_max3A_47 = vector.multi_reduction <maximumf>, %reduce_max3A_45, %reduce_max3A_46 [1, 2] : vector<1x16x128xf32> to vector<1xf32>
    %reduce_max3A_48 = vector.shape_cast %reduce_max3A_47 : vector<1xf32> to vector<1x1x1xf32>
    %reduce_max3A_49 = vector.extract %reduce_max3A_48[0, 0, 0] : f32 from vector<1x1x1xf32>
    %eq3A_50 = vector.broadcast %reduce_max3A_49 : f32 to vector<16x128xf32>
    %eq3A_51 = arith.cmpf oeq, %select_n3A_44, %eq3A_50 : vector<16x128xf32>
    %jit3A_52 = arith.constant 2048 : i32
    %broadcast_in_dim3A_53 = vector.broadcast %jit3A_52 : i32 to vector<16x128xi32>
    %select_n3A_54 = arith.select %eq3A_51, %add3A_30, %broadcast_in_dim3A_53 : vector<16x128xi1>, vector<16x128xi32>
    %reduce_min3A_55 = vector.shape_cast %select_n3A_54 : vector<16x128xi32> to vector<1x16x128xi32>
    %reduce_min3A_56 = arith.constant dense<2147483647> : vector<1xi32>
    %reduce_min3A_57 = vector.multi_reduction <minsi>, %reduce_min3A_55, %reduce_min3A_56 [1, 2] : vector<1x16x128xi32> to vector<1xi32>
    %reduce_min3A_58 = vector.shape_cast %reduce_min3A_57 : vector<1xi32> to vector<1x1x1xi32>
    %reduce_min3A_59 = vector.extract %reduce_min3A_58[0, 0, 0] : i32 from vector<1x1x1xi32>
    %eq3A_60 = vector.broadcast %reduce_min3A_59 : i32 to vector<16x128xi32>
    %eq3A_61 = arith.cmpi eq, %add3A_30, %eq3A_60 : vector<16x128xi32>
    %jit3A_62 = arith.constant -3.000000e+38 : f32
    %broadcast_in_dim3A_63 = vector.broadcast %jit3A_62 : f32 to vector<16x128xf32>
    %select_n3A_64 = arith.select %eq3A_61, %broadcast_in_dim3A_63, %select_n3A_44 : vector<16x128xi1>, vector<16x128xf32>
    %reduce_max3A_65 = vector.shape_cast %select_n3A_64 : vector<16x128xf32> to vector<1x16x128xf32>
    %reduce_max3A_66 = arith.constant dense<0xFF800000> : vector<1xf32>
    %reduce_max3A_67 = vector.multi_reduction <maximumf>, %reduce_max3A_65, %reduce_max3A_66 [1, 2] : vector<1x16x128xf32> to vector<1xf32>
    %reduce_max3A_68 = vector.shape_cast %reduce_max3A_67 : vector<1xf32> to vector<1x1x1xf32>
    %reduce_max3A_69 = vector.extract %reduce_max3A_68[0, 0, 0] : f32 from vector<1x1x1xf32>
    %eq3A_70 = vector.broadcast %reduce_max3A_69 : f32 to vector<16x128xf32>
    %eq3A_71 = arith.cmpf oeq, %select_n3A_64, %eq3A_70 : vector<16x128xf32>
    %jit3A_72 = arith.constant 2048 : i32
    %broadcast_in_dim3A_73 = vector.broadcast %jit3A_72 : i32 to vector<16x128xi32>
    %select_n3A_74 = arith.select %eq3A_71, %add3A_30, %broadcast_in_dim3A_73 : vector<16x128xi1>, vector<16x128xi32>
    %reduce_min3A_75 = vector.shape_cast %select_n3A_74 : vector<16x128xi32> to vector<1x16x128xi32>
    %reduce_min3A_76 = arith.constant dense<2147483647> : vector<1xi32>
    %reduce_min3A_77 = vector.multi_reduction <minsi>, %reduce_min3A_75, %reduce_min3A_76 [1, 2] : vector<1x16x128xi32> to vector<1xi32>
    %reduce_min3A_78 = vector.shape_cast %reduce_min3A_77 : vector<1xi32> to vector<1x1x1xi32>
    %reduce_min3A_79 = vector.extract %reduce_min3A_78[0, 0, 0] : i32 from vector<1x1x1xi32>
    %eq3A_80 = vector.broadcast %reduce_min3A_79 : i32 to vector<16x128xi32>
    %eq3A_81 = arith.cmpi eq, %add3A_30, %eq3A_80 : vector<16x128xi32>
    %jit3A_82 = arith.constant -3.000000e+38 : f32
    %broadcast_in_dim3A_83 = vector.broadcast %jit3A_82 : f32 to vector<16x128xf32>
    %select_n3A_84 = arith.select %eq3A_81, %broadcast_in_dim3A_83, %select_n3A_64 : vector<16x128xi1>, vector<16x128xf32>
    %reduce_max3A_85 = vector.shape_cast %select_n3A_84 : vector<16x128xf32> to vector<1x16x128xf32>
    %reduce_max3A_86 = arith.constant dense<0xFF800000> : vector<1xf32>
    %reduce_max3A_87 = vector.multi_reduction <maximumf>, %reduce_max3A_85, %reduce_max3A_86 [1, 2] : vector<1x16x128xf32> to vector<1xf32>
    %reduce_max3A_88 = vector.shape_cast %reduce_max3A_87 : vector<1xf32> to vector<1x1x1xf32>
    %reduce_max3A_89 = vector.extract %reduce_max3A_88[0, 0, 0] : f32 from vector<1x1x1xf32>
    %eq3A_90 = vector.broadcast %reduce_max3A_89 : f32 to vector<16x128xf32>
    %eq3A_91 = arith.cmpf oeq, %select_n3A_84, %eq3A_90 : vector<16x128xf32>
    %jit3A_92 = arith.constant 2048 : i32
    %broadcast_in_dim3A_93 = vector.broadcast %jit3A_92 : i32 to vector<16x128xi32>
    %select_n3A_94 = arith.select %eq3A_91, %add3A_30, %broadcast_in_dim3A_93 : vector<16x128xi1>, vector<16x128xi32>
    %reduce_min3A_95 = vector.shape_cast %select_n3A_94 : vector<16x128xi32> to vector<1x16x128xi32>
    %reduce_min3A_96 = arith.constant dense<2147483647> : vector<1xi32>
    %reduce_min3A_97 = vector.multi_reduction <minsi>, %reduce_min3A_95, %reduce_min3A_96 [1, 2] : vector<1x16x128xi32> to vector<1xi32>
    %reduce_min3A_98 = vector.shape_cast %reduce_min3A_97 : vector<1xi32> to vector<1x1x1xi32>
    %reduce_min3A_99 = vector.extract %reduce_min3A_98[0, 0, 0] : i32 from vector<1x1x1xi32>
    %eq3A_100 = vector.broadcast %reduce_min3A_99 : i32 to vector<16x128xi32>
    %eq3A_101 = arith.cmpi eq, %add3A_30, %eq3A_100 : vector<16x128xi32>
    %jit3A_102 = arith.constant -3.000000e+38 : f32
    %broadcast_in_dim3A_103 = vector.broadcast %jit3A_102 : f32 to vector<16x128xf32>
    %select_n3A_104 = arith.select %eq3A_101, %broadcast_in_dim3A_103, %select_n3A_84 : vector<16x128xi1>, vector<16x128xf32>
    %reduce_max3A_105 = vector.shape_cast %select_n3A_104 : vector<16x128xf32> to vector<1x16x128xf32>
    %reduce_max3A_106 = arith.constant dense<0xFF800000> : vector<1xf32>
    %reduce_max3A_107 = vector.multi_reduction <maximumf>, %reduce_max3A_105, %reduce_max3A_106 [1, 2] : vector<1x16x128xf32> to vector<1xf32>
    %reduce_max3A_108 = vector.shape_cast %reduce_max3A_107 : vector<1xf32> to vector<1x1x1xf32>
    %reduce_max3A_109 = vector.extract %reduce_max3A_108[0, 0, 0] : f32 from vector<1x1x1xf32>
    %eq3A_110 = vector.broadcast %reduce_max3A_109 : f32 to vector<16x128xf32>
    %eq3A_111 = arith.cmpf oeq, %select_n3A_104, %eq3A_110 : vector<16x128xf32>
    %jit3A_112 = arith.constant 2048 : i32
    %broadcast_in_dim3A_113 = vector.broadcast %jit3A_112 : i32 to vector<16x128xi32>
    %select_n3A_114 = arith.select %eq3A_111, %add3A_30, %broadcast_in_dim3A_113 : vector<16x128xi1>, vector<16x128xi32>
    %reduce_min3A_115 = vector.shape_cast %select_n3A_114 : vector<16x128xi32> to vector<1x16x128xi32>
    %reduce_min3A_116 = arith.constant dense<2147483647> : vector<1xi32>
    %reduce_min3A_117 = vector.multi_reduction <minsi>, %reduce_min3A_115, %reduce_min3A_116 [1, 2] : vector<1x16x128xi32> to vector<1xi32>
    %reduce_min3A_118 = vector.shape_cast %reduce_min3A_117 : vector<1xi32> to vector<1x1x1xi32>
    %reduce_min3A_119 = vector.extract %reduce_min3A_118[0, 0, 0] : i32 from vector<1x1x1xi32>
    %mul3A_120 = arith.constant 2048 : i32
    %mul3A_121 = arith.muli %arg0, %mul3A_120 : i32
    %iota3A_122 = tpu.iota {dimensions = array<i32: 1>} : vector<1x128xi32>
    %broadcast_in_dim3A_123 = vector.broadcast %mul3A_121 : i32 to vector<1x128xi32>
    %eq3A_124 = arith.constant 0 : i32
    %eq3A_125 = vector.broadcast %eq3A_124 : i32 to vector<1x128xi32>
    %eq3A_126 = arith.cmpi eq, %iota3A_122, %eq3A_125 : vector<1x128xi32>
    %add3A_127 = arith.addi %mul3A_121, %reduce_min3A_39 : i32
    %broadcast_in_dim3A_128 = vector.broadcast %add3A_127 : i32 to vector<1x128xi32>
    %select_n3A_129 = arith.select %eq3A_126, %broadcast_in_dim3A_128, %broadcast_in_dim3A_123 : vector<1x128xi1>, vector<1x128xi32>
    %eq3A_130 = arith.constant 1 : i32
    %eq3A_131 = vector.broadcast %eq3A_130 : i32 to vector<1x128xi32>
    %eq3A_132 = arith.cmpi eq, %iota3A_122, %eq3A_131 : vector<1x128xi32>
    %add3A_133 = arith.addi %mul3A_121, %reduce_min3A_59 : i32
    %broadcast_in_dim3A_134 = vector.broadcast %add3A_133 : i32 to vector<1x128xi32>
    %select_n3A_135 = arith.select %eq3A_132, %broadcast_in_dim3A_134, %select_n3A_129 : vector<1x128xi1>, vector<1x128xi32>
    %eq3A_136 = arith.constant 2 : i32
    %eq3A_137 = vector.broadcast %eq3A_136 : i32 to vector<1x128xi32>
    %eq3A_138 = arith.cmpi eq, %iota3A_122, %eq3A_137 : vector<1x128xi32>
    %add3A_139 = arith.addi %mul3A_121, %reduce_min3A_79 : i32
    %broadcast_in_dim3A_140 = vector.broadcast %add3A_139 : i32 to vector<1x128xi32>
    %select_n3A_141 = arith.select %eq3A_138, %broadcast_in_dim3A_140, %select_n3A_135 : vector<1x128xi1>, vector<1x128xi32>
    %eq3A_142 = arith.constant 3 : i32
    %eq3A_143 = vector.broadcast %eq3A_142 : i32 to vector<1x128xi32>
    %eq3A_144 = arith.cmpi eq, %iota3A_122, %eq3A_143 : vector<1x128xi32>
    %add3A_145 = arith.addi %mul3A_121, %reduce_min3A_99 : i32
    %broadcast_in_dim3A_146 = vector.broadcast %add3A_145 : i32 to vector<1x128xi32>
    %select_n3A_147 = arith.select %eq3A_144, %broadcast_in_dim3A_146, %select_n3A_141 : vector<1x128xi1>, vector<1x128xi32>
    %eq3A_148 = arith.constant 4 : i32
    %eq3A_149 = vector.broadcast %eq3A_148 : i32 to vector<1x128xi32>
    %eq3A_150 = arith.cmpi eq, %iota3A_122, %eq3A_149 : vector<1x128xi32>
    %add3A_151 = arith.addi %mul3A_121, %reduce_min3A_119 : i32
    %broadcast_in_dim3A_152 = vector.broadcast %add3A_151 : i32 to vector<1x128xi32>
    %select_n3A_153 = arith.select %eq3A_150, %broadcast_in_dim3A_152, %select_n3A_147 : vector<1x128xi1>, vector<1x128xi32>
    %swap3A_154 = arith.constant 0 : index
    %swap3A_155 = arith.constant 0 : index
    %swap3A_156 = arith.constant 0 : index
    %swap3A_157 = vector.load %arg5[%swap3A_154, %swap3A_155, %swap3A_156] : memref<1x1x128xi32, #tpu.memory_space<vmem>>, vector<1x1x128xi32>
    %swap3A_158 = vector.shape_cast %swap3A_157 : vector<1x1x128xi32> to vector<1x128xi32>
    %swap3A_159 = vector.shape_cast %select_n3A_153 : vector<1x128xi32> to vector<1x1x128xi32>
    tpu.vector_store %arg5[%swap3A_154, %swap3A_155, %swap3A_156], %swap3A_159 {strides = array<i32>} : memref<1x1x128xi32, #tpu.memory_space<vmem>>, vector<1x1x128xi32>,
    %jit3A_160 = arith.constant 128 : i32
    %div3A_161 = arith.divsi %reduce_min3A_39, %jit3A_160 : i32
    %sign3A = arith.constant 0 : i32
    %sign3A_162 = arith.cmpi sgt, %reduce_min3A_39, %sign3A : i32
    %sign3A_163 = arith.extui %sign3A_162 : i1 to i32
    %sign3A_164 = arith.constant 0 : i32
    %sign3A_165 = arith.cmpi slt, %reduce_min3A_39, %sign3A_164 : i32
    %sign3A_166 = arith.extui %sign3A_165 : i1 to i32
    %sign3A_167 = arith.subi %sign3A_163, %sign3A_166 : i32
    %sign3A_168 = arith.constant 0 : i32
    %sign3A_169 = arith.cmpi sgt, %jit3A_160, %sign3A_168 : i32
    %sign3A_170 = arith.extui %sign3A_169 : i1 to i32
    %sign3A_171 = arith.constant 0 : i32
    %sign3A_172 = arith.cmpi slt, %jit3A_160, %sign3A_171 : i32
    %sign3A_173 = arith.extui %sign3A_172 : i1 to i32
    %sign3A_174 = arith.subi %sign3A_170, %sign3A_173 : i32
    %ne3A = arith.cmpi ne, %sign3A_167, %sign3A_174 : i32
    %rem3A = arith.remsi %reduce_min3A_39, %jit3A_160 : i32
    %ne3A_175 = arith.constant 0 : i32
    %ne3A_176 = arith.cmpi ne, %rem3A, %ne3A_175 : i32
    %and3A = arith.andi %ne3A, %ne3A_176 : i1
    %sub3A = arith.constant 1 : i32
    %sub3A_177 = arith.subi %div3A_161, %sub3A : i32
    %select_n3A_178 = arith.select %and3A, %sub3A_177, %div3A_161 : i32
    %rem3A_179 = arith.constant 128 : i32
    %rem3A_180 = arith.remsi %reduce_min3A_39, %rem3A_179 : i32
    %get3A_181 = arith.constant 0 : index
    %get3A_182 = arith.index_cast %select_n3A_178 : i32 to index
    %get3A_183 = arith.index_cast %rem3A_180 : i32 to index
    %get3A_184 = arith.constant 0 : index
    %get3A_185 = vector.load %arg1[%get3A_181, %get3A_182, %get3A_183, %get3A_184] : memref<1x16x128x1024xf32, #tpu.memory_space<vmem>>, vector<1x1x1x1024xf32>
    %get3A_186 = vector.shape_cast %get3A_185 : vector<1x1x1x1024xf32> to vector<1x1024xf32>
    %jit3A_187 = arith.constant 128 : i32
    %div3A_188 = arith.divsi %reduce_min3A_59, %jit3A_187 : i32
    %sign3A_189 = arith.constant 0 : i32
    %sign3A_190 = arith.cmpi sgt, %reduce_min3A_59, %sign3A_189 : i32
    %sign3A_191 = arith.extui %sign3A_190 : i1 to i32
    %sign3A_192 = arith.constant 0 : i32
    %sign3A_193 = arith.cmpi slt, %reduce_min3A_59, %sign3A_192 : i32
    %sign3A_194 = arith.extui %sign3A_193 : i1 to i32
    %sign3A_195 = arith.subi %sign3A_191, %sign3A_194 : i32
    %sign3A_196 = arith.constant 0 : i32
    %sign3A_197 = arith.cmpi sgt, %jit3A_187, %sign3A_196 : i32
    %sign3A_198 = arith.extui %sign3A_197 : i1 to i32
    %sign3A_199 = arith.constant 0 : i32
    %sign3A_200 = arith.cmpi slt, %jit3A_187, %sign3A_199 : i32
    %sign3A_201 = arith.extui %sign3A_200 : i1 to i32
    %sign3A_202 = arith.subi %sign3A_198, %sign3A_201 : i32
    %ne3A_203 = arith.cmpi ne, %sign3A_195, %sign3A_202 : i32
    %rem3A_204 = arith.remsi %reduce_min3A_59, %jit3A_187 : i32
    %ne3A_205 = arith.constant 0 : i32
    %ne3A_206 = arith.cmpi ne, %rem3A_204, %ne3A_205 : i32
    %and3A_207 = arith.andi %ne3A_203, %ne3A_206 : i1
    %sub3A_208 = arith.constant 1 : i32
    %sub3A_209 = arith.subi %div3A_188, %sub3A_208 : i32
    %select_n3A_210 = arith.select %and3A_207, %sub3A_209, %div3A_188 : i32
    %rem3A_211 = arith.constant 128 : i32
    %rem3A_212 = arith.remsi %reduce_min3A_59, %rem3A_211 : i32
    %get3A_213 = arith.constant 0 : index
    %get3A_214 = arith.index_cast %select_n3A_210 : i32 to index
    %get3A_215 = arith.index_cast %rem3A_212 : i32 to index
    %get3A_216 = arith.constant 0 : index
    %get3A_217 = vector.load %arg1[%get3A_213, %get3A_214, %get3A_215, %get3A_216] : memref<1x16x128x1024xf32, #tpu.memory_space<vmem>>, vector<1x1x1x1024xf32>
    %get3A_218 = vector.shape_cast %get3A_217 : vector<1x1x1x1024xf32> to vector<1x1024xf32>
    %jit3A_219 = arith.constant 128 : i32
    %div3A_220 = arith.divsi %reduce_min3A_79, %jit3A_219 : i32
    %sign3A_221 = arith.constant 0 : i32
    %sign3A_222 = arith.cmpi sgt, %reduce_min3A_79, %sign3A_221 : i32
    %sign3A_223 = arith.extui %sign3A_222 : i1 to i32
    %sign3A_224 = arith.constant 0 : i32
    %sign3A_225 = arith.cmpi slt, %reduce_min3A_79, %sign3A_224 : i32
    %sign3A_226 = arith.extui %sign3A_225 : i1 to i32
    %sign3A_227 = arith.subi %sign3A_223, %sign3A_226 : i32
    %sign3A_228 = arith.constant 0 : i32
    %sign3A_229 = arith.cmpi sgt, %jit3A_219, %sign3A_228 : i32
    %sign3A_230 = arith.extui %sign3A_229 : i1 to i32
    %sign3A_231 = arith.constant 0 : i32
    %sign3A_232 = arith.cmpi slt, %jit3A_219, %sign3A_231 : i32
    %sign3A_233 = arith.extui %sign3A_232 : i1 to i32
    %sign3A_234 = arith.subi %sign3A_230, %sign3A_233 : i32
    %ne3A_235 = arith.cmpi ne, %sign3A_227, %sign3A_234 : i32
    %rem3A_236 = arith.remsi %reduce_min3A_79, %jit3A_219 : i32
    %ne3A_237 = arith.constant 0 : i32
    %ne3A_238 = arith.cmpi ne, %rem3A_236, %ne3A_237 : i32
    %and3A_239 = arith.andi %ne3A_235, %ne3A_238 : i1
    %sub3A_240 = arith.constant 1 : i32
    %sub3A_241 = arith.subi %div3A_220, %sub3A_240 : i32
    %select_n3A_242 = arith.select %and3A_239, %sub3A_241, %div3A_220 : i32
    %rem3A_243 = arith.constant 128 : i32
    %rem3A_244 = arith.remsi %reduce_min3A_79, %rem3A_243 : i32
    %get3A_245 = arith.constant 0 : index
    %get3A_246 = arith.index_cast %select_n3A_242 : i32 to index
    %get3A_247 = arith.index_cast %rem3A_244 : i32 to index
    %get3A_248 = arith.constant 0 : index
    %get3A_249 = vector.load %arg1[%get3A_245, %get3A_246, %get3A_247, %get3A_248] : memref<1x16x128x1024xf32, #tpu.memory_space<vmem>>, vector<1x1x1x1024xf32>
    %get3A_250 = vector.shape_cast %get3A_249 : vector<1x1x1x1024xf32> to vector<1x1024xf32>
    %jit3A_251 = arith.constant 128 : i32
    %div3A_252 = arith.divsi %reduce_min3A_99, %jit3A_251 : i32
    %sign3A_253 = arith.constant 0 : i32
    %sign3A_254 = arith.cmpi sgt, %reduce_min3A_99, %sign3A_253 : i32
    %sign3A_255 = arith.extui %sign3A_254 : i1 to i32
    %sign3A_256 = arith.constant 0 : i32
    %sign3A_257 = arith.cmpi slt, %reduce_min3A_99, %sign3A_256 : i32
    %sign3A_258 = arith.extui %sign3A_257 : i1 to i32
    %sign3A_259 = arith.subi %sign3A_255, %sign3A_258 : i32
    %sign3A_260 = arith.constant 0 : i32
    %sign3A_261 = arith.cmpi sgt, %jit3A_251, %sign3A_260 : i32
    %sign3A_262 = arith.extui %sign3A_261 : i1 to i32
    %sign3A_263 = arith.constant 0 : i32
    %sign3A_264 = arith.cmpi slt, %jit3A_251, %sign3A_263 : i32
    %sign3A_265 = arith.extui %sign3A_264 : i1 to i32
    %sign3A_266 = arith.subi %sign3A_262, %sign3A_265 : i32
    %ne3A_267 = arith.cmpi ne, %sign3A_259, %sign3A_266 : i32
    %rem3A_268 = arith.remsi %reduce_min3A_99, %jit3A_251 : i32
    %ne3A_269 = arith.constant 0 : i32
    %ne3A_270 = arith.cmpi ne, %rem3A_268, %ne3A_269 : i32
    %and3A_271 = arith.andi %ne3A_267, %ne3A_270 : i1
    %sub3A_272 = arith.constant 1 : i32
    %sub3A_273 = arith.subi %div3A_252, %sub3A_272 : i32
    %select_n3A_274 = arith.select %and3A_271, %sub3A_273, %div3A_252 : i32
    %rem3A_275 = arith.constant 128 : i32
    %rem3A_276 = arith.remsi %reduce_min3A_99, %rem3A_275 : i32
    %get3A_277 = arith.constant 0 : index
    %get3A_278 = arith.index_cast %select_n3A_274 : i32 to index
    %get3A_279 = arith.index_cast %rem3A_276 : i32 to index
    %get3A_280 = arith.constant 0 : index
    %get3A_281 = vector.load %arg1[%get3A_277, %get3A_278, %get3A_279, %get3A_280] : memref<1x16x128x1024xf32, #tpu.memory_space<vmem>>, vector<1x1x1x1024xf32>
    %get3A_282 = vector.shape_cast %get3A_281 : vector<1x1x1x1024xf32> to vector<1x1024xf32>
    %jit3A_283 = arith.constant 128 : i32
    %div3A_284 = arith.divsi %reduce_min3A_119, %jit3A_283 : i32
    %sign3A_285 = arith.constant 0 : i32
    %sign3A_286 = arith.cmpi sgt, %reduce_min3A_119, %sign3A_285 : i32
    %sign3A_287 = arith.extui %sign3A_286 : i1 to i32
    %sign3A_288 = arith.constant 0 : i32
    %sign3A_289 = arith.cmpi slt, %reduce_min3A_119, %sign3A_288 : i32
    %sign3A_290 = arith.extui %sign3A_289 : i1 to i32
    %sign3A_291 = arith.subi %sign3A_287, %sign3A_290 : i32
    %sign3A_292 = arith.constant 0 : i32
    %sign3A_293 = arith.cmpi sgt, %jit3A_283, %sign3A_292 : i32
    %sign3A_294 = arith.extui %sign3A_293 : i1 to i32
    %sign3A_295 = arith.constant 0 : i32
    %sign3A_296 = arith.cmpi slt, %jit3A_283, %sign3A_295 : i32
    %sign3A_297 = arith.extui %sign3A_296 : i1 to i32
    %sign3A_298 = arith.subi %sign3A_294, %sign3A_297 : i32
    %ne3A_299 = arith.cmpi ne, %sign3A_291, %sign3A_298 : i32
    %rem3A_300 = arith.remsi %reduce_min3A_119, %jit3A_283 : i32
    %ne3A_301 = arith.constant 0 : i32
    %ne3A_302 = arith.cmpi ne, %rem3A_300, %ne3A_301 : i32
    %and3A_303 = arith.andi %ne3A_299, %ne3A_302 : i1
    %sub3A_304 = arith.constant 1 : i32
    %sub3A_305 = arith.subi %div3A_284, %sub3A_304 : i32
    %select_n3A_306 = arith.select %and3A_303, %sub3A_305, %div3A_284 : i32
    %rem3A_307 = arith.constant 128 : i32
    %rem3A_308 = arith.remsi %reduce_min3A_119, %rem3A_307 : i32
    %get3A_309 = arith.constant 0 : index
    %get3A_310 = arith.index_cast %select_n3A_306 : i32 to index
    %get3A_311 = arith.index_cast %rem3A_308 : i32 to index
    %get3A_312 = arith.constant 0 : index
    %get3A_313 = vector.load %arg1[%get3A_309, %get3A_310, %get3A_311, %get3A_312] : memref<1x16x128x1024xf32, #tpu.memory_space<vmem>>, vector<1x1x1x1024xf32>
    %get3A_314 = vector.shape_cast %get3A_313 : vector<1x1x1x1024xf32> to vector<1x1024xf32>
    %broadcast_in_dim3A_315 = arith.constant 0.000000e+00 : f32
    %broadcast_in_dim3A_316 = vector.broadcast %broadcast_in_dim3A_315 : f32 to vector<3x1024xf32>
    %concatenate3A = tpu.concatenate %get3A_186, %get3A_218, %get3A_250, %get3A_282, %get3A_314, %broadcast_in_dim3A_316 in 0 : vector<1x1024xf32>, vector<1x1024xf32>, vector<1x1024xf32>, vector<1x1024xf32>, vector<1x1024xf32>, vector<3x1024xf32> -> vector<8x1024xf32>
    %swap3A_317 = arith.constant 0 : index
    %swap3A_318 = arith.constant 0 : index
    %swap3A_319 = arith.constant 0 : index
    %swap3A_320 = vector.load %arg6[%swap3A_317, %swap3A_318, %swap3A_319] : memref<1x8x1024xf32, #tpu.memory_space<vmem>>, vector<1x8x1024xf32>
    %swap3A_321 = vector.shape_cast %swap3A_320 : vector<1x8x1024xf32> to vector<8x1024xf32>
    %swap3A_322 = vector.shape_cast %concatenate3A : vector<8x1024xf32> to vector<1x8x1024xf32>
    tpu.vector_store %arg6[%swap3A_317, %swap3A_318, %swap3A_319], %swap3A_322 {strides = array<i32>} : memref<1x8x1024xf32, #tpu.memory_space<vmem>>, vector<1x8x1024xf32>,
    return
  }
  func.func @transform_0(%arg0: i32) -> (i32, i32, i32, i32) {
    %c0_i32 = arith.constant 0 : i32
    %c0_i32_0 = arith.constant 0 : i32
    %c0_i32_1 = arith.constant 0 : i32
    %c0_i32_2 = arith.constant 0 : i32
    return %arg0, %c0_i32, %c0_i32_0, %c0_i32_1 : i32, i32, i32, i32
  }
  func.func @transform_1(%arg0: i32) -> (i32, i32) {
    %c0_i32 = arith.constant 0 : i32
    %c0_i32_0 = arith.constant 0 : i32
    %c0_i32_1 = arith.constant 0 : i32
    return %c0_i32, %c0_i32_0 : i32, i32
  }
  func.func @transform_2(%arg0: i32) -> (i32, i32) {
    %c0_i32 = arith.constant 0 : i32
    %c0_i32_0 = arith.constant 0 : i32
    %c0_i32_1 = arith.constant 0 : i32
    return %c0_i32, %c0_i32_0 : i32, i32
  }
  func.func @transform_3(%arg0: i32) -> (i32, i32, i32) {
    %c0_i32 = arith.constant 0 : i32
    %c0_i32_0 = arith.constant 0 : i32
    %c0_i32_1 = arith.constant 0 : i32
    return %arg0, %c0_i32, %c0_i32_0 : i32, i32, i32
  }
  func.func @transform_4(%arg0: i32) -> (i32, i32, i32) {
    %c0_i32 = arith.constant 0 : i32
    %c0_i32_0 = arith.constant 0 : i32
    %c0_i32_1 = arith.constant 0 : i32
    return %arg0, %c0_i32, %c0_i32_0 : i32, i32, i32
  }
  func.func @transform_5(%arg0: i32) -> (i32, i32, i32) {
    %c0_i32 = arith.constant 0 : i32
    %c0_i32_0 = arith.constant 0 : i32
    %c0_i32_1 = arith.constant 0 : i32
    return %arg0, %c0_i32, %c0_i32_0 : i32, i32, i32
  }
}

module attributes {stable_mosaic.version = 14 : i64} {
  func.func @_read_body(%arg0: memref<128x1024xf32, #tpu.memory_space<vmem>>, %arg1: memref<16x1024xf32, #tpu.memory_space<vmem>>, %arg2: memref<1024x1024xf32, #tpu.memory_space<vmem>>, %arg3: memref<1x1024xf32, #tpu.memory_space<vmem>>, %arg4: memref<1024x1024xf32, #tpu.memory_space<vmem>>, %arg5: memref<1x1024xf32, #tpu.memory_space<vmem>>, %arg6: memref<1024x64xf32, #tpu.memory_space<vmem>>, %arg7: memref<1x64xf32, #tpu.memory_space<vmem>>, %arg8: memref<16x64xf32, #tpu.memory_space<vmem>>) attributes {dimension_semantics = [], scalar_prefetch = 0 : i64, scratch_operands = 0 : i64, tpu.core_type = #tpu.core_type<tc>} {
    %iota3A = tpu.iota {dimensions = array<i32: 1>} : vector<16x8x1024xi32>
    %lt3A = arith.constant 5 : i32
    %lt3A_0 = vector.broadcast %lt3A : i32 to vector<16x8x1024xi32>
    %lt3A_1 = arith.cmpi slt, %iota3A, %lt3A_0 : vector<16x8x1024xi32>
    %get3A = arith.constant 0 : index
    %get3A_2 = arith.constant 0 : index
    %get3A_3 = vector.load %arg0[%get3A, %get3A_2] : memref<128x1024xf32, #tpu.memory_space<vmem>>, vector<128x1024xf32>
    %reshape3A = vector.shape_cast %get3A_3 : vector<128x1024xf32> to vector<16x8x1024xf32>
    %jit3A = arith.constant 0.000000e+00 : f32
    %broadcast_in_dim3A = vector.broadcast %jit3A : f32 to vector<16x8x1024xf32>
    %select_n3A = arith.select %lt3A_1, %reshape3A, %broadcast_in_dim3A : vector<16x8x1024xi1>, vector<16x8x1024xf32>
    %get3A_4 = arith.constant 0 : index
    %get3A_5 = arith.constant 0 : index
    %get3A_6 = vector.load %arg1[%get3A_4, %get3A_5] : memref<16x1024xf32, #tpu.memory_space<vmem>>, vector<16x1024xf32>
    %get3A_7 = arith.constant 0 : index
    %get3A_8 = arith.constant 0 : index
    %get3A_9 = vector.load %arg2[%get3A_7, %get3A_8] : memref<1024x1024xf32, #tpu.memory_space<vmem>>, vector<1024x1024xf32>
    %dot_general3A = arith.constant dense<0.000000e+00> : vector<16x1024xf32>
    %dot_general3A_10 = tpu.matmul %get3A_6, %get3A_9, %dot_general3A {dimension_numbers = #tpu.dot_dimension_numbers<[1], [0], [0], [1], [0, 0, 1, 1], [], []>, transpose_lhs_hint = false} : vector<16x1024xf32>, vector<1024x1024xf32>, vector<16x1024xf32> -> vector<16x1024xf32>
    %get3A_11 = arith.constant 0 : index
    %get3A_12 = arith.constant 0 : index
    %get3A_13 = vector.load %arg3[%get3A_11, %get3A_12] : memref<1x1024xf32, #tpu.memory_space<vmem>>, vector<1x1024xf32>
    %add3A = vector.broadcast %get3A_13 : vector<1x1024xf32> to vector<16x1024xf32>
    %add3A_14 = arith.addf %dot_general3A_10, %add3A : vector<16x1024xf32>
    %reshape3A_15 = vector.shape_cast %select_n3A : vector<16x8x1024xf32> to vector<128x1024xf32>
    %get3A_16 = arith.constant 0 : index
    %get3A_17 = arith.constant 0 : index
    %get3A_18 = vector.load %arg4[%get3A_16, %get3A_17] : memref<1024x1024xf32, #tpu.memory_space<vmem>>, vector<1024x1024xf32>
    %dot_general3A_19 = arith.constant dense<0.000000e+00> : vector<128x1024xf32>
    %dot_general3A_20 = tpu.matmul %reshape3A_15, %get3A_18, %dot_general3A_19 {dimension_numbers = #tpu.dot_dimension_numbers<[1], [0], [0], [1], [0, 0, 1, 1], [], []>, transpose_lhs_hint = false} : vector<128x1024xf32>, vector<1024x1024xf32>, vector<128x1024xf32> -> vector<128x1024xf32>
    %reshape3A_21 = vector.shape_cast %dot_general3A_20 : vector<128x1024xf32> to vector<16x8x1024xf32>
    %get3A_22 = arith.constant 0 : index
    %get3A_23 = arith.constant 0 : index
    %get3A_24 = vector.load %arg5[%get3A_22, %get3A_23] : memref<1x1024xf32, #tpu.memory_space<vmem>>, vector<1x1024xf32>
    %broadcast_in_dim3A_25 = vector.shape_cast %get3A_24 : vector<1x1024xf32> to vector<1x1x1024xf32>
    %add3A_26 = vector.broadcast %broadcast_in_dim3A_25 : vector<1x1x1024xf32> to vector<16x8x1024xf32>
    %add3A_27 = arith.addf %reshape3A_21, %add3A_26 : vector<16x8x1024xf32>
    %get3A_28 = arith.constant 0 : index
    %get3A_29 = arith.constant 0 : index
    %get3A_30 = vector.load %arg5[%get3A_28, %get3A_29] : memref<1x1024xf32, #tpu.memory_space<vmem>>, vector<1x1024xf32>
    %mul3A = vector.broadcast %get3A_30 : vector<1x1024xf32> to vector<16x1024xf32>
    %mul3A_31 = arith.mulf %add3A_14, %mul3A : vector<16x1024xf32>
    %reduce_sum3A = arith.constant dense<0.000000e+00> : vector<16xf32>
    %reduce_sum3A_32 = vector.multi_reduction <add>, %mul3A_31, %reduce_sum3A [1] : vector<16x1024xf32> to vector<16xf32>
    %broadcast_in_dim3A_33 = vector.shape_cast %reduce_sum3A_32 : vector<16xf32> to vector<16x1xf32>
    %mul3A_34 = arith.constant 3.125000e-02 : f32
    %mul3A_35 = vector.broadcast %mul3A_34 : f32 to vector<16x1xf32>
    %mul3A_36 = arith.mulf %broadcast_in_dim3A_33, %mul3A_35 : vector<16x1xf32>
    %broadcast_in_dim3A_37 = vector.shape_cast %add3A_14 : vector<16x1024xf32> to vector<16x1x1024xf32>
    %mul3A_38 = vector.broadcast %broadcast_in_dim3A_37 : vector<16x1x1024xf32> to vector<16x8x1024xf32>
    %mul3A_39 = arith.mulf %mul3A_38, %add3A_27 : vector<16x8x1024xf32>
    %reduce_sum3A_40 = arith.constant dense<0.000000e+00> : vector<16x8xf32>
    %reduce_sum3A_41 = vector.multi_reduction <add>, %mul3A_39, %reduce_sum3A_40 [2] : vector<16x8x1024xf32> to vector<16x8xf32>
    %mul3A_42 = arith.constant 3.125000e-02 : f32
    %mul3A_43 = vector.broadcast %mul3A_42 : f32 to vector<16x8xf32>
    %mul3A_44 = arith.mulf %reduce_sum3A_41, %mul3A_43 : vector<16x8xf32>
    %reduce_max3A = arith.constant dense<0xFF800000> : vector<16xf32>
    %reduce_max3A_45 = vector.multi_reduction <maximumf>, %mul3A_44, %reduce_max3A [1] : vector<16x8xf32> to vector<16xf32>
    %broadcast_in_dim3A_46 = vector.shape_cast %reduce_max3A_45 : vector<16xf32> to vector<16x1xf32>
    %sub3A = vector.broadcast %broadcast_in_dim3A_46 : vector<16x1xf32> to vector<16x8xf32>
    %sub3A_47 = arith.subf %mul3A_44, %sub3A : vector<16x8xf32>
    %exp3A = math.exp %sub3A_47 : vector<16x8xf32>
    %reduce_sum3A_48 = arith.constant dense<0.000000e+00> : vector<16xf32>
    %reduce_sum3A_49 = vector.multi_reduction <add>, %exp3A, %reduce_sum3A_48 [1] : vector<16x8xf32> to vector<16xf32>
    %broadcast_in_dim3A_50 = vector.shape_cast %reduce_sum3A_49 : vector<16xf32> to vector<16x1xf32>
    %sub3A_51 = arith.subf %mul3A_36, %broadcast_in_dim3A_46 : vector<16x1xf32>
    %exp3A_52 = math.exp %sub3A_51 : vector<16x1xf32>
    %mul3A_53 = arith.constant 5.600000e+01 : f32
    %mul3A_54 = vector.broadcast %mul3A_53 : f32 to vector<16x1xf32>
    %mul3A_55 = arith.mulf %mul3A_54, %exp3A_52 : vector<16x1xf32>
    %add3A_56 = arith.addf %broadcast_in_dim3A_50, %mul3A_55 : vector<16x1xf32>
    %div3A = vector.broadcast %add3A_56 : vector<16x1xf32> to vector<16x8xf32>
    %div3A_57 = arith.divf %exp3A, %div3A : vector<16x8xf32>
    %broadcast_in_dim3A_58 = vector.shape_cast %div3A_57 : vector<16x8xf32> to vector<16x8x1xf32>
    %mul3A_59 = vector.broadcast %broadcast_in_dim3A_58 : vector<16x8x1xf32> to vector<16x8x1024xf32>
    %mul3A_60 = arith.mulf %mul3A_59, %select_n3A : vector<16x8x1024xf32>
    %reduce_sum3A_61 = arith.constant dense<0.000000e+00> : vector<16x1024xf32>
    %reduce_sum3A_62 = vector.multi_reduction <add>, %mul3A_60, %reduce_sum3A_61 [1] : vector<16x8x1024xf32> to vector<16x1024xf32>
    %add3A_63 = arith.addf %reduce_sum3A_62, %get3A_6 : vector<16x1024xf32>
    %get3A_64 = arith.constant 0 : index
    %get3A_65 = arith.constant 0 : index
    %get3A_66 = vector.load %arg6[%get3A_64, %get3A_65] : memref<1024x64xf32, #tpu.memory_space<vmem>>, vector<1024x64xf32>
    %dot_general3A_67 = arith.constant dense<0.000000e+00> : vector<16x64xf32>
    %dot_general3A_68 = tpu.matmul %add3A_63, %get3A_66, %dot_general3A_67 {dimension_numbers = #tpu.dot_dimension_numbers<[1], [0], [0], [1], [0, 0, 1, 1], [], []>, transpose_lhs_hint = false} : vector<16x1024xf32>, vector<1024x64xf32>, vector<16x64xf32> -> vector<16x64xf32>
    %get3A_69 = arith.constant 0 : index
    %get3A_70 = arith.constant 0 : index
    %get3A_71 = vector.load %arg7[%get3A_69, %get3A_70] : memref<1x64xf32, #tpu.memory_space<vmem>>, vector<1x64xf32>
    %add3A_72 = vector.broadcast %get3A_71 : vector<1x64xf32> to vector<16x64xf32>
    %add3A_73 = arith.addf %dot_general3A_68, %add3A_72 : vector<16x64xf32>
    %swap3A = arith.constant 0 : index
    %swap3A_74 = arith.constant 0 : index
    %swap3A_75 = vector.load %arg8[%swap3A, %swap3A_74] : memref<16x64xf32, #tpu.memory_space<vmem>>, vector<16x64xf32>
    tpu.vector_store %arg8[%swap3A, %swap3A_74], %add3A_73 {strides = array<i32>} : memref<16x64xf32, #tpu.memory_space<vmem>>, vector<16x64xf32>,
    return
  }
}

</mosaic_0001>

<sc_bundles>
// kernel: kernel.5.cloned.1.call-start
scs
__scs_entry_jumppad:
0x0: {  	(pc) =	sbr.rel $0x88, $3  }
0x1: {  	(tag) =	ssettag $0x0;
	lr =	simm.s32 $0x1  }
0x2: {  	[smem:$0x3F97] =	sst lr;
	_ =	strace $0xD0000000  }
0x3: {  	_ = 	snop  }
0x4: {  	_ = 	snop  }
0x5: {  	_ = 	snop  }
0x6: {  	_ = 	snop  }
0x7: {  	_ = 	snop  }
__scs_overlays_trampoline_lowered:
0x8: {  	[smem:$0x3FA6] =	sst s0  }
0x9: {  	[smem:$0x3FA7] =	sst s1  }
0xa: {  	[smem:$0x3FA8] =	sst s2  }
0xb: {  	[smem:$0x3FA9] =	sst s3  }
0xc: {  	[smem:$0x3FAA] =	sst s4  }
0xd: {  	[smem:$0x3FAB] =	sst s5  }
0xe: {  	[smem:$0x3FAC] =	sst s6  }
0xf: {  	[smem:$0x3FAD] =	sst s7  }
0x10: {  	[smem:$0x3FAE] =	sst s8  }
0x11: {  	[smem:$0x3FAF] =	sst s9;
	s0 =	simm.s32 @!p0 $0x0  }
0x12: {  	s1 =	sld [smem:$0x3F95];
	s0 =	simm.s32 @p0 $0x1  }
0x13: {  	[smem:$0x3FB0] =	sst s0;
	s0 =	simm.s32 @!p1 $0x0  }
0x14: {  	s2 =	sld [smem:$0x3F94];
	s0 =	simm.s32 @p1 $0x1  }
0x15: {  	[smem:$0x3FB1] =	sst s0;
	s0 =	simm.s32 @!p2 $0x0  }
0x16: {  	s3 =	sld [smem:$0x3FDB];
	s0 =	simm.s32 @p2 $0x1  }
0x17: {  	s4 =	simm.s32 $0x1BF5;
	[smem:$0x3FB3] =	sst s0  }
0x18: {  	s0 =	sld [smem:$0x3F96];
	_ =	swait.ge [sflag:s4], $0x0  }
0x19: {  	s7 =	sld [smem:$0x3F97]  }
0x1a: {  	s8 =	sadd.s32 $0xFFFFE003, lr  }
0x1b: {  	s9 =	sadd.s32 $0xFFFFFEF7, lr;
	s5 =	simm.s32 $0xFFFFFFFF;
	p2 =	slt.u32 s8, $0xFFFFF086  }
0x1c: {  	p1 =	slt.u32 s9, $0xF7A;
	s5 =	simm.s32 @!p2 $0x0  }
0x1d: {  	s5 =	simm.s32 @p1 $0x1;
	p0 =	seq.s32 s7, s2  }
0x1e: {  	s7 =	smul.u32 @!p0 $0xF7A, s2;
	p2 =	seq.s32 @!p0 s5, $0x0  }
0x1f: {  	s9 =	smul.u32 $0xF7A, s1;
	s8 =	simm.s32 @!p0 $0x1BF5;
	p2 =	por !p2, p0  }
0x20: {  	[sflag:s8] =	ssyncset.s32 @!p0 $0xFFFFF086;
	s6 =	sadd.s32 @!p0 s3, s7;
	s7 =	simm.s32 @!p0 $0x108  }
0x21: {  	s3 =	sadd.s32 s3, s9;
	s6 =	sadd.s32 @!p0 $0x88, s6;
	s7 =	simm.s32 @p2 $0x1082  }
0x22: {  	[simem:s7], [sflag:s8] =	dma.local @!p0 [hbm:s6], $0xF7A  }
0x23: {  	s9 =	sor.u32 $0xD0000000, s2;
	s6 =	simm.s32 $0x108;
	_ =	swait.ge @!p0 [sflag:s8], $0x0  }
0x24: {  	s3 =	sadd.s32 $0x88, s3;
	s6 =	simm.s32 @!p1 $0x1082;
	[sflag:s4] =	ssyncset.s32 $0xFFFFF086  }
0x25: {  	[simem:s6], [sflag:s4] =	dma.local [hbm:s3], $0xF7A  }
0x26: {  	[smem:$0x3F97] =	sst s1;
	(tag) =	ssettag s2;
	_ =	strace s9  }
0x27: {  	s1 =	sld [smem:$0x3FA7]  }
0x28: {  	s2 =	sld [smem:$0x3FA8]  }
0x29: {  	s4 =	sld [smem:$0x3FAA]  }
0x2a: {  	p0 =	seq.s32 s5, $0x0;
	s5 =	sld [smem:$0x3FAB]  }
0x2b: {  	s6 =	sld [smem:$0x3FAC]  }
0x2c: {  	s7 =	sld [smem:$0x3FAD]  }
0x2d: {  	s3 =	simm.s32 $0x108;
	s8 =	sld [smem:$0x3FAE]  }
0x2e: {  	s3 =	simm.s32 @!p0 $0x1082;
	s9 =	sld [smem:$0x3FAF]  }
0x2f: {  	lr =	sadd.s32 s0, s3;
	s0 =	sld [smem:$0x3FA6]  }
0x30: {  	s3 =	sld [smem:$0x3FA9]  }
0x31: {  	[smem:$0x3FB2] =	sst s10  }
0x32: {  	s10 =	sld [smem:$0x3FB0];
	_ =	sdelay $0x3  }
0x33: {  	p0 =	seq.s32 s10, $0x1;
	s10 =	sld [smem:$0x3FB2];
	_ =	sdelay $0x3  }
0x34: {  	[smem:$0x3FB2] =	sst s10  }
0x35: {  	s10 =	sld [smem:$0x3FB1];
	_ =	sdelay $0x3  }
0x36: {  	p1 =	seq.s32 s10, $0x1;
	s10 =	sld [smem:$0x3FB2];
	_ =	sdelay $0x3  }
0x37: {  	[smem:$0x3FB2] =	sst s10  }
0x38: {  	s10 =	sld [smem:$0x3FB3]  }
0x39: {  	_ = 	snop;
	(pc) =	sbr.ind lr, $3  }
0x3a: {  	_ = 	snop  }
0x3b: {  	_ = 	snop  }
0x3c: {  	p2 =	seq.s32 s10, $0x1;
	s10 =	sld [smem:$0x3FB2]  }
0x3d: {  	_ =	shalt  }
0x3e: {  	_ =	shalt  }
0x3f: {  	_ =	shalt  }
0x40: {  	_ =	shalt  }
0x41: {  	_ =	shalt  }
0x42: {  	_ =	shalt  }
0x43: {  	_ =	shalt  }
0x44: {  	_ =	shalt  }
0x45: {  	_ =	shalt  }
0x46: {  	_ =	shalt  }
0x47: {  	_ =	shalt  }
0x48: {  	_ =	shalt  }
0x49: {  	_ =	shalt  }
0x4a: {  	_ =	shalt  }
0x4b: {  	_ =	shalt  }
0x4c: {  	_ =	shalt  }
0x4d: {  	_ =	shalt  }
0x4e: {  	_ =	shalt  }
0x4f: {  	_ =	shalt  }
0x50: {  	_ =	shalt  }
0x51: {  	_ =	shalt  }
0x52: {  	_ =	shalt  }
0x53: {  	_ =	shalt  }
0x54: {  	_ =	shalt  }
0x55: {  	_ =	shalt  }
0x56: {  	_ =	shalt  }
0x57: {  	_ =	shalt  }
0x58: {  	_ =	shalt  }
0x59: {  	_ =	shalt  }
0x5a: {  	_ =	shalt  }
0x5b: {  	_ =	shalt  }
0x5c: {  	_ =	shalt  }
0x5d: {  	_ =	shalt  }
0x5e: {  	_ =	shalt  }
0x5f: {  	_ =	shalt  }
0x60: {  	_ =	shalt  }
0x61: {  	_ =	shalt  }
0x62: {  	_ =	shalt  }
0x63: {  	_ =	shalt  }
0x64: {  	_ =	shalt  }
0x65: {  	_ =	shalt  }
0x66: {  	_ =	shalt  }
0x67: {  	_ =	shalt  }
0x68: {  	_ =	shalt  }
0x69: {  	_ =	shalt  }
0x6a: {  	_ =	shalt  }
0x6b: {  	_ =	shalt  }
0x6c: {  	_ =	shalt  }
0x6d: {  	_ =	shalt  }
0x6e: {  	_ =	shalt  }
0x6f: {  	_ =	shalt  }
0x70: {  	_ =	shalt  }
0x71: {  	_ =	shalt  }
0x72: {  	_ =	shalt  }
0x73: {  	_ =	shalt  }
0x74: {  	_ =	shalt  }
0x75: {  	_ =	shalt  }
0x76: {  	_ =	shalt  }
0x77: {  	_ =	shalt  }
0x78: {  	_ =	shalt  }
0x79: {  	_ =	shalt  }
0x7a: {  	_ =	shalt  }
0x7b: {  	_ =	shalt  }
0x7c: {  	_ =	shalt  }
0x7d: {  	_ =	shalt  }
0x7e: {  	_ =	shalt  }
0x7f: {  	_ =	shalt  }
0x80: {  	_ =	shalt  }
0x81: {  	_ =	shalt  }
0x82: {  	_ =	shalt  }
0x83: {  	_ =	shalt  }
0x84: {  	_ =	shalt  }
0x85: {  	_ =	shalt  }
0x86: {  	_ =	shalt  }
0x87: {  	_ =	shalt  }
.Lfunc_end0:
.L_simem_size_0:
called_computation_lowered:
.L_overlay_start_0:
0x88: {  	s2 =	sld [smem:$0x3FD9]  }
0x89: {  	s3 =	sld [smem:$0x3FFE];
	_ =	sdelay $0x1  }
0x8a: {  	s1 =	srdreg.scid  }
0x8b: {  	s0 =	sand.u32 $0x1, s1  }
0x8c: {  	s14 =	sshll.u32 s0, $0xA;
	s2 =	sadd.s32 s3, s2  }
0x8d: {  	s2 =	sadd.s32 s2, s14  }
0x8e: {  	[smem:$0x3FBE] =	sst s2  }
0x8f: {  	_ = 	snop  }
0x90: {  	s2 =	sld [smem:$0x3FD0];
	_ =	sdelay $0x2  }
0x91: {  	s4 =	simm.s32 $0xA;
	s5 =	simm.s32 $0x10;
	s15 =	sld [smem:$0x3FC9]  }
0x92: {  	[smem:s5], [sflag:s4] =	dma.local [hbm:s2], $0x1  }
0x93: {  	_ =	swait.eq [sflag:s4], $0x1  }
0x94: {  	[sflag:s4] =	ssyncset.done $0x0  }
0x95: {  	[sflag:s4] =	ssyncadd.s32 $0xFFFFFFFF  }
0x96: {  	s16 =	sld [smem:$0x12];
	(tm) =	ssettm $0x1  }
0x97: {  	s17 =	sld [smem:$0x3FFB];
	_ =	sdelay $0x3  }
0x98: {  	_ =	strace s17  }
0x99: {  	s4 =	sld [smem:$0x3FFC];
	_ =	sdelay $0x3  }
0x9a: {  	_ =	strace s4  }
0x9b: {  	s4 =	sld [smem:$0x3FFD];
	_ =	sdelay $0x3  }
0x9c: {  	_ =	strace s4  }
0x9d: {  	_ =	strace $0x8FFFFFFF  }
0x9e: {  	s18 =	sld [smem:$0x3FDB];
	_ =	sdelay $0x1  }
0x9f: {  	s19 =	simm.s32 $_scs_section_size  }
0xa0: {  	s6 =	simm.s32 $_size__tile_overlayer_lowered;
	s7 =	simm.s32 $_tile_overlayer_lowered  }
0xa1: {  	s22 =	simm.s32 $0x1BFF;
	s21 =	sshll.u32 s7, $0x1;
	s4 =	sadd.s32 s19, s18  }
0xa2: {  	s8 =	simm.s32 $0x0;
	s20 =	sshll.u32 s6, $0x1;
	s6 =	sadd.s32 s21, s4  }
0xa3: {  	[timem:s8], [sflag:s22] =	dma.local [hbm:s6], s20  }
0xa4: {  	_ =	swait.ge [sflag:s22], s20  }
0xa5: {  	s5 =	ssub.s32 $0x0, s20;
	[sflag:s22] =	ssyncset.done $0x0  }
0xa6: {  	[sflag:s22] =	ssyncadd.s32 s5;
	_ =	sdelay $0x1  }
0xa7: {  	s23 =	simm.s32 $0x1B8B  }
0xa8: {  	_ =	swait.ge [sflag:s23], $0x1  }
0xa9: {  	[sflag:s23] =	ssyncset.done $0x0  }
0xaa: {  	s25 =	simm.s32 $0x1B8E;
	s24 =	sld [smem:$0x3FFE];
	[sflag:s23] =	ssyncadd.s32 $0xFFFFFFFF  }
0xab: {  	s26 =	simm.s32 $execute0_lowered;
	[smem:$0x3FD2] =	sst s25  }
0xac: {  	s6 =	sshll.u32 s26, $0x1;
	_ =	strace $0x80000046;
	[dreg:$0x1] =	wrdreg $0xFFFFFFFF  }
0xad: {  	s28 =	simm.s32 $_size_execute0_lowered;
	s4 =	sadd.s32 s4, s6;
	[dreg:$0x0] =	wrdreg $0x0  }
0xae: {  	s6 =	sshll.u32 s28, $0x1;
	[dreg:$0x2] =	wrdreg s4  }
0xaf: {  	[dreg:$0x3] =	wrdreg s6  }
0xb0: {  	[dreg:$0x4] =	wrdreg $0xC0  }
0xb1: {  	_ =	task [dreg:s8], $0x5FFFF  }
0xb2: {  	[dreg:$0x1] =	wrdreg $0xFFFFFFFF  }
0xb3: {  	[dreg:$0x0] =	wrdreg $0x60  }
0xb4: {  	[dreg:$0x2] =	wrdreg s15  }
0xb5: {  	[dreg:$0x3] =	wrdreg s24  }
0xb6: {  	[dreg:$0x4] =	wrdreg s16  }
0xb7: {  	[dreg:$0x5] =	wrdreg $0x9  }
0xb8: {  	_ =	task.clear_ibuf [dreg:s8], $0x6FFFF;
	_ =	strace $0x90000046  }
0xb9: {  	s29 =	simm.s32 $0x9;
	_ =	strace $0x80000048  }
0xba: {  	_ =	swait.ge [sflag:s29], $0x1  }
0xbb: {  	[sflag:s29] =	ssyncadd.s32 $0xFFFFFFFF  }
0xbc: {  	_ =	strace $0x90000048  }
0xbd: {  	_ =	sfence  }
0xbe: {  	s30 =	sld [smem:$0x0];
	_ =	sdelay $0x2  }
0xbf: {  	s31 =	sshll.u32 s1, $0xD;
	s1 =	sshrl.u32 s1, $0x2  }
0xc0: {  	s3 =	sand.u32 $0x4000, s31;
	s1 =	sadd.s32 s1, s30  }
0xc1: {  	s0 =	sor.u32 s3, s0;
	s1 =	sshll.u32 s1, $0x11  }
0xc2: {  	s0 =	sor.u32 s1, s0  }
0xc3: {  	s0 =	sadd.s32 $0x8F2B, s0  }
0xc4: {  	[sflag:s0] =	ssyncadd.remote.s32 $0x1  }
0xc5: {  	_ =	sfence.sel $0xFFFF  }
0xc6: {  	[dreg:$0x0] =	wrdreg $0xFFFFFFFF;
	(pc) =	sbr.abs _section_cstart, $3  }
0xc7: {  	[dreg:$0x1] =	wrdreg $0xFFFFFFFF  }
0xc8: {  	_ =	task.clear_ibuf [dreg:s8], $0x2FFFF;
	_ =	strace $0x9FFFFFFF  }
0xc9: {  	(tm) =	ssettm $0x7FFFFFFF  }
tec
execute0_lowered:
.L_overlay_start_1:
0x0: {  	(tag) =	ssettag $0x1  }
0x1: {  	s2 =	rddreg [dreg:$0x0]  }
0x2: {  	s5 =	rddreg [dreg:$0x1]  }
0x3: {  	s4 =	rddreg [dreg:$0x2]  }
0x4: {  	s0 =	rddreg [dreg:$0x3];
	s1 =	stileid.u32  }
0x5: {  	s3 =	simm.s32 $0x0;
	s6 =	srdreg.scid;
	s13 =	simm.s32 $0x2  }
0x6: {  	s14 =	simm.s32 $0x80;
	s15 =	simm.s32 $0x880;
	s16 =	simm.s32 $0x1080  }
0x7: {  	s17 =	simm.s32 $0x1880;
	s18 =	simm.s32 $0x1;
	s19 =	simm.s32 $0x2080  }
0x8: {  	s20 =	simm.s32 $0x0;
	s7 =	sshll.u32 s1, $0x1;
	[smem:$0x7FF] =	sst s3  }
0x9: {  	s6 =	sand.u32 $0x1, s6;
	s10 =	sadd.s32 $0x300, s2;
	s7 =	sand.u32 $0xE, s7  }
0xa: {  	p0 =	sgt.u32 s1, $0x7;
	_ =	strace $0x80000047;
	s7 =	sor.u32 s6, s7  }
.Ltmp0:
0xb: {  	s6 =	ssub.s32 $0x2, s6;
	s8 =	sshll.u32 s7, $0x4;
	(pc) =	sbr.rel .LBB2_1-.Ltmp0, $4  }
0xc: {  	s7 =	sshll.u32 s7, $0xD;
	s9 =	sshrl.u32 s6, $0x1;
	s8 =	sadd.s32 s8, s5  }
0xd: {  	v1 =	vlaneseq.u32;
	s4 =	sadd.s32 s4, s7;
	s5 =	sadd.s32 $0x1800, s5;
	s12 =	ssub.s32 s6, s9  }
0xe: {  	v0 =	vand.u32 $0x7, v1;
	v1 =	vshrl.u32 v1, $0x3;
	s9 =	sadd.s32 $0x200, s2;
	s6 =	sadd.s32 $0x1400, s4;
	s7 =	sadd.s32 $0x1600, s8  }
0xf: {  	vm0 =	vmmov $0xffff;
	v2 =	vimm.f32 $0.0e+00;
	v1 =	vmul.u32 $0x8, v1;
	s8 =	sadd.s32 $0x100, s2;
	s11 =	sadd.s32 $0x400, s4;
	s12 =	smax.u32 s12, $0x1  }
.LBB2_5:
0x10: {  	[tilespmem:s19], [sflag:$0x2] =	stream.linear.gather [hbm4b:s5+s3], $0x6000, $0x38;
	[tilespmem:$0xA080] =	vst v63  }
0x11: {  	_ =	swait.ge [sflag:s13], $0x6000  }
0x12: {  	[sflag:s13] =	ssyncset.done $0x0  }
0x13: {  	[sflag:s13] =	ssyncadd.s32 $0xFFFFA000  }
0x14: {  	[hbm4b:s6+s3] =	stream.linear.scatter [tilespmem:s19], [sflag:$0x2], $0x6000, $0x38;
	[tilespmem:$0xA080] =	vst v63  }
0x15: {  	_ =	swait.ge [sflag:s13], $0x6000  }
0x16: {  	[sflag:s13] =	ssyncset.done $0x0  }
0x17: {  	[sflag:s13] =	ssyncadd.s32 $0xFFFFA000  }
.LBB2_6:
0x18: {  	s20 =	sadd.s32 $0x1, s20  }
0x19: {  	p1 =	sne.s32 s20, s12  }
.Ltmp1:
0x1a: {  	_ = 	snop;
	(pc) =	sbr.rel @!p1 .LBB2_7-.Ltmp1, $1  }
0x1b: {  	_ =	sdelay $0x3  }
.LBB2_1:
.Ltmp2:
0x1c: {  	(pc) =	sbr.rel @p0 .LBB2_5-.Ltmp2, $1  }
0x1d: {  	_ =	sdelay $0x3  }
0x1e: {  	s21 =	simm.s32 $0x0  }
0x1f: {  	[tilespmem:s21], [sflag:$0x2] =	stream.linear.gather [hbm4b:s7+s21], $0x8, $0x38;
	[tilespmem:$0xA080] =	vst v63  }
0x20: {  	_ =	swait.ge [sflag:s13], $0x8  }
0x21: {  	[sflag:s13] =	ssyncset.done $0x0  }
0x22: {  	[sflag:s13] =	ssyncadd.s32 $0xFFFFFFF8  }
0x23: {  	v3 =	vld.msk [tilespmem:$0x0], $0xff;
	_ =	sdelay $0x4  }
0x24: {  	v4 =	vshll.u32 v3, $0x3  }
0x25: {  	v3 =	vand.u32 $0x7, v3;
	v4 =	vand.u32 $0xFFFFFFC0, v4  }
0x26: {  	v3 =	vor.u32 v3, v4  }
0x27: {  	v3 =	vperm.xlane v3, v0;
	_ =	sdelay $0x1  }
0x28: {  	v3 =	vadd.s32 v1, v3;
	_ =	sdelay $0x4  }
0x29: {  	[tilespmem:s14], [sflag:$0x1] =	stream.indirect_vreg.gather [hbm4b:s2+s21], $0x80, v3, vm0, $0xb8;
	[tilespmem:$0xA080] =	vst v63  }
0x2a: {  	_ = 	snop  }
0x2b: {  	[tilespmem:s15], [sflag:$0x1] =	stream.indirect_vreg.gather [hbm4b:s8+s21], $0x80, v3, vm0, $0xb8;
	[tilespmem:$0xA080] =	vst v63  }
0x2c: {  	_ = 	snop  }
0x2d: {  	[tilespmem:s16], [sflag:$0x1] =	stream.indirect_vreg.gather [hbm4b:s9+s21], $0x80, v3, vm0, $0xb8;
	[tilespmem:$0xA080] =	vst v63  }
0x2e: {  	_ = 	snop  }
0x2f: {  	[tilespmem:s17], [sflag:$0x1] =	stream.indirect_vreg.gather [hbm4b:s10+s21], $0x80, v3, vm0, $0xb8;
	[tilespmem:$0xA080] =	vst v63  }
0x30: {  	_ =	swait.ge [sflag:s18], $0x2000  }
0x31: {  	s22 =	sand.u32 $0x70, s21;
	s23 =	sand.u32 $0x1C00, s21;
	[sflag:s18] =	ssyncset.done $0x0  }
0x32: {  	s24 =	sor.u32 s21, s21;
	s23 =	sor.u32 s22, s23;
	[sflag:s18] =	ssyncadd.s32 $0xFFFFE000  }
0x33: {  	s22 =	simm.s32 $0x10;
	s24 =	sor.u32 $0x380, s24;
	[tilespmem:s23+$0x300] =	vst v2  }
.LBB2_3:
0x34: {  	p1 =	sne.s32 s22, $0x3F0  }
0x35: {  	[tilespmem:s23+$0x380] =	vst v2;
	s21 =	sadd.s32 $0x80, s21;
	s25 =	smov.u32 s22;
	s22 =	sadd.s32 $0x10, s22  }
.Ltmp3:
0x36: {  	[tilespmem:s24+$0x80] =	vst v2;
	(pc) =	sbr.rel @p1 .LBB2_3-.Ltmp3, $4  }
0x37: {  	_ = 	snop  }
0x38: {  	s23 =	sand.u32 $0x70, s25;
	s24 =	sand.u32 $0x1C00, s21  }
0x39: {  	s23 =	sor.u32 s23, s24;
	s24 =	sor.u32 s21, s25  }
0x3a: {  	s24 =	sor.u32 $0x380, s24;
	[tilespmem:s23+$0x300] =	vst v2  }
0x3b: {  	[tilespmem:s23+$0x380] =	vst v2  }
0x3c: {  	[tilespmem:s24+$0x80] =	vst v2  }
0x3d: {  	[hbm4b:s4+s3] =	stream.linear.scatter [tilespmem:s14], [sflag:$0x2], $0x2000, $0x38;
	[tilespmem:$0xA080] =	vst v63  }
0x3e: {  	_ =	swait.ge [sflag:s13], $0x2000  }
0x3f: {  	[sflag:s13] =	ssyncset.done $0x0  }
0x40: {  	[sflag:s13] =	ssyncadd.s32 $0xFFFFE000  }
0x41: {  	[tilespmem:s19], [sflag:$0x2] =	stream.linear.gather [hbm4b:s5+s3], $0x8000, $0x38;
	[tilespmem:$0xA080] =	vst v63  }
0x42: {  	_ =	swait.ge [sflag:s13], $0x8000  }
0x43: {  	[sflag:s13] =	ssyncset.done $0x0  }
.Ltmp4:
0x44: {  	[sflag:s13] =	ssyncadd.s32 $0xFFFF8000;
	(pc) =	sbr.rel .LBB2_6-.Ltmp4, $4  }
0x45: {  	[hbm4b:s11+s3] =	stream.linear.scatter [tilespmem:s19], [sflag:$0x2], $0x8000, $0x38;
	[tilespmem:$0xA080] =	vst v63  }
0x46: {  	_ =	swait.ge [sflag:s13], $0x8000  }
0x47: {  	[sflag:s13] =	ssyncset.done $0x0  }
0x48: {  	[sflag:s13] =	ssyncadd.s32 $0xFFFF8000  }
.LBB2_7:
0x49: {  	_ =	sfence.sel $0x180000  }
0x4a: {  	[bflag:$0x0] =	sbarrier.arrive $0xFFFF  }
0x4b: {  	p0 =	sne.s32 s1, $0x0;
	_ =	strace $0x90000047  }
0x4c: {  	s0 =	sadd.s32 @!p0 $0x100000, s0;
	[bflag:$0x2] =	sbarrier.arrive $0xFFFF  }
0x4d: {  	[sflag:s0] =	ssyncadd.tile.s32 @!p0 $0x1;
	_ =	shalt  }
.Lfunc_end2:
_tile_overlayer_lowered:
.L_overlay_start_2:
0x4e: {  	(tag) =	ssettag $0x2  }
0x4f: {  	s0 =	rddreg [dreg:$0x0];
	s2 =	stileid.u32  }
0x50: {  	s1 =	rddreg [dreg:$0x1];
	p0 =	sne.s32 s2, $0x0  }
0x51: {  	s3 =	rddreg [dreg:$0x2];
	[bflag:$0x3] =	sbarrier.arrive $0xFFFF;
	s2 =	simm.s32 @!p0 $0x1C02  }
0x52: {  	[timem:s3], [sflag:s2] =	dma.local @!p0 [hbm:s0], s1  }
0x53: {  	s0 =	simm.s32 @!p0 $0x2  }
0x54: {  	_ =	swait.ge @!p0 [sflag:s0], s1  }
0x55: {  	s1 =	ssub.s32 @!p0 $0x0, s1;
	[sflag:s0] =	ssyncset.done @!p0 $0x0  }
0x56: {  	[sflag:s0] =	ssyncadd.s32 @!p0 s1  }
0x57: {  	[bflag:$0x3] =	sbarrier.arrive $0xFFFF  }
0x58: {  	_ =	shalt  }

</sc_bundles>
